<compile_context>
chip_gen: v7x
topology: tpu7x:2x2x1
jax: 0.10.2.dev20260603
libtpu: 0.0.44.dev20260713+nightly
codegen_flags: <defaults>
</compile_context>

<pallas_src>
import functools

import jax
import jax.numpy as jnp
from jax import lax
from jax.experimental import pallas as pl
from jax.experimental.pallas import tpu as pltpu
from jax.experimental.pallas import tpu_sc as plsc

_B, _C, _D = 16384, 26, 8
_R = _C * _D
_NC, _NS = 2, 16
_NW = _NC * _NS
_COLS = 1024
_NCOL = _B // _COLS
_NCHUNK = (_R // 8) * _NCOL
_PER = _NCHUNK // _NW


def _sc_broadcast(pattern):
    mesh = plsc.VectorSubcoreMesh(core_axis_name="c", subcore_axis_name="s")

    @functools.partial(
        pl.kernel,
        mesh=mesh,
        out_type=jax.ShapeDtypeStruct((_R, _B), jnp.float32),
        scratch_types=[
            pltpu.VMEM((8, _COLS), jnp.float32),
            pltpu.SemaphoreType.DMA,
        ],
    )
    def k(pat_hbm, out_hbm, buf, sem):
        wid = lax.axis_index("s") * _NC + lax.axis_index("c")
        u0 = wid * _PER
        pltpu.sync_copy(pat_hbm, buf)
        def _chunk(i):
            u = u0 + i
            s = u // _NCOL
            c = lax.rem(u, _NCOL)
            return out_hbm.at[pl.ds(s * 8, 8), pl.ds(c * _COLS, _COLS)]

        for i in range(_PER):
            pltpu.make_async_copy(buf, _chunk(i), sem).start()
        for i in range(_PER):
            pltpu.make_async_copy(buf, _chunk(i), sem).wait()

    return k(pattern)


def kernel(input, table):
    del input
    pattern = jnp.broadcast_to(table[0][:, None], (8, _COLS))
    out2d = _sc_broadcast(pattern)
    return out2d.reshape(_C, _D, _B).transpose(2, 0, 1)

# --- scband reference (transcript-rebuilt; emitter-appended) ---
"""Pipeline reference for scband-fake-embedding-table-12086037971185 (READ-ONLY COPY).

The authoritative reference and input builder live on the scoring server;
editing this copy changes nothing except your own understanding.
"""

import jax, jax.numpy as jnp
import numpy as np

def setup_inputs(seed: int = 0) -> dict:
    key = jax.random.key(seed)
    k_idx, k_tab = jax.random.split(key)
    # indices must be in [0, 1) since the table has num_embeddings=1
    input_idx = jax.random.randint(k_idx, (16384, 26), 0, 1, dtype=jnp.int64)
    # embedding table: nn.Embedding(1, 8) weight, N(0,1) init like torch default
    table = jax.random.normal(k_tab, (1, 8), dtype=jnp.float32)
    return {"input": input_idx, "table": table}

def reference(input, table):
    # nn.Embedding forward: gather rows of the table by index
    return jnp.take(table, input, axis=0)

if __name__ == "__main__":
    import jax
    _d = setup_inputs()
    print(jax.jit(kernel)(*tuple(_d.values())))

</pallas_src>

<mosaic_0001>
#map = affine_map<(d0, d1) -> (0, 0)>
module attributes {stable_mosaic.version = 14 : i64} {
  func.func @k(%arg0: i32, %arg1: i32, %arg2: memref<8x1024xf32, #tpu.memory_space<hbm>>, %arg3: memref<208x16384xf32, #tpu.memory_space<hbm>>, %arg4: memref<8x1024xf32, #tpu.memory_space<vmem>>, %arg5: memref<!tpu.dma_semaphore, #tpu.memory_space<semaphore_mem>>) attributes {dimension_semantics = [#tpu.dimension_semantics<core_parallel>, #tpu.dimension_semantics<subcore_parallel>], iteration_bounds = array<i64: 2, 16>, scalar_prefetch = 0 : i64, scratch_operands = 2 : i64, tpu.core_type = #tpu.core_type<sc_vector_subcore>, window_params = [{transform_indices = #map}, {transform_indices = #map}]} {
    %mul3A = arith.constant 2 : i32
    %mul3A_0 = arith.muli %arg1, %mul3A : i32
    %add3A = arith.addi %mul3A_0, %arg0 : i32
    %mul3A_1 = arith.constant 13 : i32
    %mul3A_2 = arith.muli %add3A, %mul3A_1 : i32
    "tpu.region"() ({
      %run_scoped3A = tpu.sem_alloc : memref<!tpu.dma_semaphore, #tpu.memory_space<semaphore_mem>>
      tpu.enqueue_dma source(%arg2 : memref<8x1024xf32, #tpu.memory_space<hbm>>) target(%arg4 : memref<8x1024xf32, #tpu.memory_space<vmem>>) target_semaphore(%run_scoped3A : memref<!tpu.dma_semaphore, #tpu.memory_space<semaphore_mem>>)
      tpu.wait_dma2 semaphore(%run_scoped3A : memref<!tpu.dma_semaphore, #tpu.memory_space<semaphore_mem>>) src(%arg2 : memref<8x1024xf32, #tpu.memory_space<hbm>>) dst(%arg4 : memref<8x1024xf32, #tpu.memory_space<vmem>>)
      tpu.yield
    }) : () -> ()
    %add3A_3 = arith.constant 0 : i32
    %add3A_4 = arith.addi %mul3A_2, %add3A_3 : i32
    %jit3A = arith.constant 16 : i32
    %div3A = arith.divsi %add3A_4, %jit3A : i32
    %sign3A = arith.constant 0 : i32
    %sign3A_5 = arith.cmpi sgt, %add3A_4, %sign3A : i32
    %sign3A_6 = arith.extui %sign3A_5 : i1 to i32
    %sign3A_7 = arith.constant 0 : i32
    %sign3A_8 = arith.cmpi slt, %add3A_4, %sign3A_7 : i32
    %sign3A_9 = arith.extui %sign3A_8 : i1 to i32
    %sign3A_10 = arith.subi %sign3A_6, %sign3A_9 : i32
    %sign3A_11 = arith.constant 0 : i32
    %sign3A_12 = arith.cmpi sgt, %jit3A, %sign3A_11 : i32
    %sign3A_13 = arith.extui %sign3A_12 : i1 to i32
    %sign3A_14 = arith.constant 0 : i32
    %sign3A_15 = arith.cmpi slt, %jit3A, %sign3A_14 : i32
    %sign3A_16 = arith.extui %sign3A_15 : i1 to i32
    %sign3A_17 = arith.subi %sign3A_13, %sign3A_16 : i32
    %ne3A = arith.cmpi ne, %sign3A_10, %sign3A_17 : i32
    %rem3A = arith.remsi %add3A_4, %jit3A : i32
    %ne3A_18 = arith.constant 0 : i32
    %ne3A_19 = arith.cmpi ne, %rem3A, %ne3A_18 : i32
    %and3A = arith.andi %ne3A, %ne3A_19 : i1
    %sub3A = arith.constant 1 : i32
    %sub3A_20 = arith.subi %div3A, %sub3A : i32
    %select_n3A = arith.select %and3A, %sub3A_20, %div3A : i32
    %rem3A_21 = arith.constant 16 : i32
    %rem3A_22 = arith.remsi %add3A_4, %rem3A_21 : i32
    %mul3A_23 = arith.constant 8 : i32
    %mul3A_24 = arith.muli %select_n3A, %mul3A_23 : i32
    %mul3A_25 = arith.constant 1024 : i32
    %mul3A_26 = arith.muli %rem3A_22, %mul3A_25 : i32
    %dma_start3A = tpu.memref_slice %arg3[%mul3A_24, %mul3A_26] : memref<208x16384xf32, #tpu.memory_space<hbm>> -> memref<8x1024xf32, #tpu.memory_space<hbm>>
    %dma_start3A_27 = tpu.memref_slice %arg3[%mul3A_24, %mul3A_26] : memref<208x16384xf32, #tpu.memory_space<hbm>> -> memref<8x1024xf32, #tpu.memory_space<hbm>>
    tpu.enqueue_dma source(%arg4 : memref<8x1024xf32, #tpu.memory_space<vmem>>) target(%dma_start3A_27 : memref<8x1024xf32, #tpu.memory_space<hbm>>) target_semaphore(%arg5 : memref<!tpu.dma_semaphore, #tpu.memory_space<semaphore_mem>>)
    %add3A_28 = arith.constant 1 : i32
    %add3A_29 = arith.addi %mul3A_2, %add3A_28 : i32
    %jit3A_30 = arith.constant 16 : i32
    %div3A_31 = arith.divsi %add3A_29, %jit3A_30 : i32
    %sign3A_32 = arith.constant 0 : i32
    %sign3A_33 = arith.cmpi sgt, %add3A_29, %sign3A_32 : i32
    %sign3A_34 = arith.extui %sign3A_33 : i1 to i32
    %sign3A_35 = arith.constant 0 : i32
    %sign3A_36 = arith.cmpi slt, %add3A_29, %sign3A_35 : i32
    %sign3A_37 = arith.extui %sign3A_36 : i1 to i32
    %sign3A_38 = arith.subi %sign3A_34, %sign3A_37 : i32
    %sign3A_39 = arith.constant 0 : i32
    %sign3A_40 = arith.cmpi sgt, %jit3A_30, %sign3A_39 : i32
    %sign3A_41 = arith.extui %sign3A_40 : i1 to i32
    %sign3A_42 = arith.constant 0 : i32
    %sign3A_43 = arith.cmpi slt, %jit3A_30, %sign3A_42 : i32
    %sign3A_44 = arith.extui %sign3A_43 : i1 to i32
    %sign3A_45 = arith.subi %sign3A_41, %sign3A_44 : i32
    %ne3A_46 = arith.cmpi ne, %sign3A_38, %sign3A_45 : i32
    %rem3A_47 = arith.remsi %add3A_29, %jit3A_30 : i32
    %ne3A_48 = arith.constant 0 : i32
    %ne3A_49 = arith.cmpi ne, %rem3A_47, %ne3A_48 : i32
    %and3A_50 = arith.andi %ne3A_46, %ne3A_49 : i1
    %sub3A_51 = arith.constant 1 : i32
    %sub3A_52 = arith.subi %div3A_31, %sub3A_51 : i32
    %select_n3A_53 = arith.select %and3A_50, %sub3A_52, %div3A_31 : i32
    %rem3A_54 = arith.constant 16 : i32
    %rem3A_55 = arith.remsi %add3A_29, %rem3A_54 : i32
    %mul3A_56 = arith.constant 8 : i32
    %mul3A_57 = arith.muli %select_n3A_53, %mul3A_56 : i32
    %mul3A_58 = arith.constant 1024 : i32
    %mul3A_59 = arith.muli %rem3A_55, %mul3A_58 : i32
    %dma_start3A_60 = tpu.memref_slice %arg3[%mul3A_57, %mul3A_59] : memref<208x16384xf32, #tpu.memory_space<hbm>> -> memref<8x1024xf32, #tpu.memory_space<hbm>>
    %dma_start3A_61 = tpu.memref_slice %arg3[%mul3A_57, %mul3A_59] : memref<208x16384xf32, #tpu.memory_space<hbm>> -> memref<8x1024xf32, #tpu.memory_space<hbm>>
    tpu.enqueue_dma source(%arg4 : memref<8x1024xf32, #tpu.memory_space<vmem>>) target(%dma_start3A_61 : memref<8x1024xf32, #tpu.memory_space<hbm>>) target_semaphore(%arg5 : memref<!tpu.dma_semaphore, #tpu.memory_space<semaphore_mem>>)
    %add3A_62 = arith.constant 2 : i32
    %add3A_63 = arith.addi %mul3A_2, %add3A_62 : i32
    %jit3A_64 = arith.constant 16 : i32
    %div3A_65 = arith.divsi %add3A_63, %jit3A_64 : i32
    %sign3A_66 = arith.constant 0 : i32
    %sign3A_67 = arith.cmpi sgt, %add3A_63, %sign3A_66 : i32
    %sign3A_68 = arith.extui %sign3A_67 : i1 to i32
    %sign3A_69 = arith.constant 0 : i32
    %sign3A_70 = arith.cmpi slt, %add3A_63, %sign3A_69 : i32
    %sign3A_71 = arith.extui %sign3A_70 : i1 to i32
    %sign3A_72 = arith.subi %sign3A_68, %sign3A_71 : i32
    %sign3A_73 = arith.constant 0 : i32
    %sign3A_74 = arith.cmpi sgt, %jit3A_64, %sign3A_73 : i32
    %sign3A_75 = arith.extui %sign3A_74 : i1 to i32
    %sign3A_76 = arith.constant 0 : i32
    %sign3A_77 = arith.cmpi slt, %jit3A_64, %sign3A_76 : i32
    %sign3A_78 = arith.extui %sign3A_77 : i1 to i32
    %sign3A_79 = arith.subi %sign3A_75, %sign3A_78 : i32
    %ne3A_80 = arith.cmpi ne, %sign3A_72, %sign3A_79 : i32
    %rem3A_81 = arith.remsi %add3A_63, %jit3A_64 : i32
    %ne3A_82 = arith.constant 0 : i32
    %ne3A_83 = arith.cmpi ne, %rem3A_81, %ne3A_82 : i32
    %and3A_84 = arith.andi %ne3A_80, %ne3A_83 : i1
    %sub3A_85 = arith.constant 1 : i32
    %sub3A_86 = arith.subi %div3A_65, %sub3A_85 : i32
    %select_n3A_87 = arith.select %and3A_84, %sub3A_86, %div3A_65 : i32
    %rem3A_88 = arith.constant 16 : i32
    %rem3A_89 = arith.remsi %add3A_63, %rem3A_88 : i32
    %mul3A_90 = arith.constant 8 : i32
    %mul3A_91 = arith.muli %select_n3A_87, %mul3A_90 : i32
    %mul3A_92 = arith.constant 1024 : i32
    %mul3A_93 = arith.muli %rem3A_89, %mul3A_92 : i32
    %dma_start3A_94 = tpu.memref_slice %arg3[%mul3A_91, %mul3A_93] : memref<208x16384xf32, #tpu.memory_space<hbm>> -> memref<8x1024xf32, #tpu.memory_space<hbm>>
    %dma_start3A_95 = tpu.memref_slice %arg3[%mul3A_91, %mul3A_93] : memref<208x16384xf32, #tpu.memory_space<hbm>> -> memref<8x1024xf32, #tpu.memory_space<hbm>>
    tpu.enqueue_dma source(%arg4 : memref<8x1024xf32, #tpu.memory_space<vmem>>) target(%dma_start3A_95 : memref<8x1024xf32, #tpu.memory_space<hbm>>) target_semaphore(%arg5 : memref<!tpu.dma_semaphore, #tpu.memory_space<semaphore_mem>>)
    %add3A_96 = arith.constant 3 : i32
    %add3A_97 = arith.addi %mul3A_2, %add3A_96 : i32
    %jit3A_98 = arith.constant 16 : i32
    %div3A_99 = arith.divsi %add3A_97, %jit3A_98 : i32
    %sign3A_100 = arith.constant 0 : i32
    %sign3A_101 = arith.cmpi sgt, %add3A_97, %sign3A_100 : i32
    %sign3A_102 = arith.extui %sign3A_101 : i1 to i32
    %sign3A_103 = arith.constant 0 : i32
    %sign3A_104 = arith.cmpi slt, %add3A_97, %sign3A_103 : i32
    %sign3A_105 = arith.extui %sign3A_104 : i1 to i32
    %sign3A_106 = arith.subi %sign3A_102, %sign3A_105 : i32
    %sign3A_107 = arith.constant 0 : i32
    %sign3A_108 = arith.cmpi sgt, %jit3A_98, %sign3A_107 : i32
    %sign3A_109 = arith.extui %sign3A_108 : i1 to i32
    %sign3A_110 = arith.constant 0 : i32
    %sign3A_111 = arith.cmpi slt, %jit3A_98, %sign3A_110 : i32
    %sign3A_112 = arith.extui %sign3A_111 : i1 to i32
    %sign3A_113 = arith.subi %sign3A_109, %sign3A_112 : i32
    %ne3A_114 = arith.cmpi ne, %sign3A_106, %sign3A_113 : i32
    %rem3A_115 = arith.remsi %add3A_97, %jit3A_98 : i32
    %ne3A_116 = arith.constant 0 : i32
    %ne3A_117 = arith.cmpi ne, %rem3A_115, %ne3A_116 : i32
    %and3A_118 = arith.andi %ne3A_114, %ne3A_117 : i1
    %sub3A_119 = arith.constant 1 : i32
    %sub3A_120 = arith.subi %div3A_99, %sub3A_119 : i32
    %select_n3A_121 = arith.select %and3A_118, %sub3A_120, %div3A_99 : i32
    %rem3A_122 = arith.constant 16 : i32
    %rem3A_123 = arith.remsi %add3A_97, %rem3A_122 : i32
    %mul3A_124 = arith.constant 8 : i32
    %mul3A_125 = arith.muli %select_n3A_121, %mul3A_124 : i32
    %mul3A_126 = arith.constant 1024 : i32
    %mul3A_127 = arith.muli %rem3A_123, %mul3A_126 : i32
    %dma_start3A_128 = tpu.memref_slice %arg3[%mul3A_125, %mul3A_127] : memref<208x16384xf32, #tpu.memory_space<hbm>> -> memref<8x1024xf32, #tpu.memory_space<hbm>>
    %dma_start3A_129 = tpu.memref_slice %arg3[%mul3A_125, %mul3A_127] : memref<208x16384xf32, #tpu.memory_space<hbm>> -> memref<8x1024xf32, #tpu.memory_space<hbm>>
    tpu.enqueue_dma source(%arg4 : memref<8x1024xf32, #tpu.memory_space<vmem>>) target(%dma_start3A_129 : memref<8x1024xf32, #tpu.memory_space<hbm>>) target_semaphore(%arg5 : memref<!tpu.dma_semaphore, #tpu.memory_space<semaphore_mem>>)
    %add3A_130 = arith.constant 4 : i32
    %add3A_131 = arith.addi %mul3A_2, %add3A_130 : i32
    %jit3A_132 = arith.constant 16 : i32
    %div3A_133 = arith.divsi %add3A_131, %jit3A_132 : i32
    %sign3A_134 = arith.constant 0 : i32
    %sign3A_135 = arith.cmpi sgt, %add3A_131, %sign3A_134 : i32
    %sign3A_136 = arith.extui %sign3A_135 : i1 to i32
    %sign3A_137 = arith.constant 0 : i32
    %sign3A_138 = arith.cmpi slt, %add3A_131, %sign3A_137 : i32
    %sign3A_139 = arith.extui %sign3A_138 : i1 to i32
    %sign3A_140 = arith.subi %sign3A_136, %sign3A_139 : i32
    %sign3A_141 = arith.constant 0 : i32
    %sign3A_142 = arith.cmpi sgt, %jit3A_132, %sign3A_141 : i32
    %sign3A_143 = arith.extui %sign3A_142 : i1 to i32
    %sign3A_144 = arith.constant 0 : i32
    %sign3A_145 = arith.cmpi slt, %jit3A_132, %sign3A_144 : i32
    %sign3A_146 = arith.extui %sign3A_145 : i1 to i32
    %sign3A_147 = arith.subi %sign3A_143, %sign3A_146 : i32
    %ne3A_148 = arith.cmpi ne, %sign3A_140, %sign3A_147 : i32
    %rem3A_149 = arith.remsi %add3A_131, %jit3A_132 : i32
    %ne3A_150 = arith.constant 0 : i32
    %ne3A_151 = arith.cmpi ne, %rem3A_149, %ne3A_150 : i32
    %and3A_152 = arith.andi %ne3A_148, %ne3A_151 : i1
    %sub3A_153 = arith.constant 1 : i32
    %sub3A_154 = arith.subi %div3A_133, %sub3A_153 : i32
    %select_n3A_155 = arith.select %and3A_152, %sub3A_154, %div3A_133 : i32
    %rem3A_156 = arith.constant 16 : i32
    %rem3A_157 = arith.remsi %add3A_131, %rem3A_156 : i32
    %mul3A_158 = arith.constant 8 : i32
    %mul3A_159 = arith.muli %select_n3A_155, %mul3A_158 : i32
    %mul3A_160 = arith.constant 1024 : i32
    %mul3A_161 = arith.muli %rem3A_157, %mul3A_160 : i32
    %dma_start3A_162 = tpu.memref_slice %arg3[%mul3A_159, %mul3A_161] : memref<208x16384xf32, #tpu.memory_space<hbm>> -> memref<8x1024xf32, #tpu.memory_space<hbm>>
    %dma_start3A_163 = tpu.memref_slice %arg3[%mul3A_159, %mul3A_161] : memref<208x16384xf32, #tpu.memory_space<hbm>> -> memref<8x1024xf32, #tpu.memory_space<hbm>>
    tpu.enqueue_dma source(%arg4 : memref<8x1024xf32, #tpu.memory_space<vmem>>) target(%dma_start3A_163 : memref<8x1024xf32, #tpu.memory_space<hbm>>) target_semaphore(%arg5 : memref<!tpu.dma_semaphore, #tpu.memory_space<semaphore_mem>>)
    %add3A_164 = arith.constant 5 : i32
    %add3A_165 = arith.addi %mul3A_2, %add3A_164 : i32
    %jit3A_166 = arith.constant 16 : i32
    %div3A_167 = arith.divsi %add3A_165, %jit3A_166 : i32
    %sign3A_168 = arith.constant 0 : i32
    %sign3A_169 = arith.cmpi sgt, %add3A_165, %sign3A_168 : i32
    %sign3A_170 = arith.extui %sign3A_169 : i1 to i32
    %sign3A_171 = arith.constant 0 : i32
    %sign3A_172 = arith.cmpi slt, %add3A_165, %sign3A_171 : i32
    %sign3A_173 = arith.extui %sign3A_172 : i1 to i32
    %sign3A_174 = arith.subi %sign3A_170, %sign3A_173 : i32
    %sign3A_175 = arith.constant 0 : i32
    %sign3A_176 = arith.cmpi sgt, %jit3A_166, %sign3A_175 : i32
    %sign3A_177 = arith.extui %sign3A_176 : i1 to i32
    %sign3A_178 = arith.constant 0 : i32
    %sign3A_179 = arith.cmpi slt, %jit3A_166, %sign3A_178 : i32
    %sign3A_180 = arith.extui %sign3A_179 : i1 to i32
    %sign3A_181 = arith.subi %sign3A_177, %sign3A_180 : i32
    %ne3A_182 = arith.cmpi ne, %sign3A_174, %sign3A_181 : i32
    %rem3A_183 = arith.remsi %add3A_165, %jit3A_166 : i32
    %ne3A_184 = arith.constant 0 : i32
    %ne3A_185 = arith.cmpi ne, %rem3A_183, %ne3A_184 : i32
    %and3A_186 = arith.andi %ne3A_182, %ne3A_185 : i1
    %sub3A_187 = arith.constant 1 : i32
    %sub3A_188 = arith.subi %div3A_167, %sub3A_187 : i32
    %select_n3A_189 = arith.select %and3A_186, %sub3A_188, %div3A_167 : i32
    %rem3A_190 = arith.constant 16 : i32
    %rem3A_191 = arith.remsi %add3A_165, %rem3A_190 : i32
    %mul3A_192 = arith.constant 8 : i32
    %mul3A_193 = arith.muli %select_n3A_189, %mul3A_192 : i32
    %mul3A_194 = arith.constant 1024 : i32
    %mul3A_195 = arith.muli %rem3A_191, %mul3A_194 : i32
    %dma_start3A_196 = tpu.memref_slice %arg3[%mul3A_193, %mul3A_195] : memref<208x16384xf32, #tpu.memory_space<hbm>> -> memref<8x1024xf32, #tpu.memory_space<hbm>>
    %dma_start3A_197 = tpu.memref_slice %arg3[%mul3A_193, %mul3A_195] : memref<208x16384xf32, #tpu.memory_space<hbm>> -> memref<8x1024xf32, #tpu.memory_space<hbm>>
    tpu.enqueue_dma source(%arg4 : memref<8x1024xf32, #tpu.memory_space<vmem>>) target(%dma_start3A_197 : memref<8x1024xf32, #tpu.memory_space<hbm>>) target_semaphore(%arg5 : memref<!tpu.dma_semaphore, #tpu.memory_space<semaphore_mem>>)
    %add3A_198 = arith.constant 6 : i32
    %add3A_199 = arith.addi %mul3A_2, %add3A_198 : i32
    %jit3A_200 = arith.constant 16 : i32
    %div3A_201 = arith.divsi %add3A_199, %jit3A_200 : i32
    %sign3A_202 = arith.constant 0 : i32
    %sign3A_203 = arith.cmpi sgt, %add3A_199, %sign3A_202 : i32
    %sign3A_204 = arith.extui %sign3A_203 : i1 to i32
    %sign3A_205 = arith.constant 0 : i32
    %sign3A_206 = arith.cmpi slt, %add3A_199, %sign3A_205 : i32
    %sign3A_207 = arith.extui %sign3A_206 : i1 to i32
    %sign3A_208 = arith.subi %sign3A_204, %sign3A_207 : i32
    %sign3A_209 = arith.constant 0 : i32
    %sign3A_210 = arith.cmpi sgt, %jit3A_200, %sign3A_209 : i32
    %sign3A_211 = arith.extui %sign3A_210 : i1 to i32
    %sign3A_212 = arith.constant 0 : i32
    %sign3A_213 = arith.cmpi slt, %jit3A_200, %sign3A_212 : i32
    %sign3A_214 = arith.extui %sign3A_213 : i1 to i32
    %sign3A_215 = arith.subi %sign3A_211, %sign3A_214 : i32
    %ne3A_216 = arith.cmpi ne, %sign3A_208, %sign3A_215 : i32
    %rem3A_217 = arith.remsi %add3A_199, %jit3A_200 : i32
    %ne3A_218 = arith.constant 0 : i32
    %ne3A_219 = arith.cmpi ne, %rem3A_217, %ne3A_218 : i32
    %and3A_220 = arith.andi %ne3A_216, %ne3A_219 : i1
    %sub3A_221 = arith.constant 1 : i32
    %sub3A_222 = arith.subi %div3A_201, %sub3A_221 : i32
    %select_n3A_223 = arith.select %and3A_220, %sub3A_222, %div3A_201 : i32
    %rem3A_224 = arith.constant 16 : i32
    %rem3A_225 = arith.remsi %add3A_199, %rem3A_224 : i32
    %mul3A_226 = arith.constant 8 : i32
    %mul3A_227 = arith.muli %select_n3A_223, %mul3A_226 : i32
    %mul3A_228 = arith.constant 1024 : i32
    %mul3A_229 = arith.muli %rem3A_225, %mul3A_228 : i32
    %dma_start3A_230 = tpu.memref_slice %arg3[%mul3A_227, %mul3A_229] : memref<208x16384xf32, #tpu.memory_space<hbm>> -> memref<8x1024xf32, #tpu.memory_space<hbm>>
    %dma_start3A_231 = tpu.memref_slice %arg3[%mul3A_227, %mul3A_229] : memref<208x16384xf32, #tpu.memory_space<hbm>> -> memref<8x1024xf32, #tpu.memory_space<hbm>>
    tpu.enqueue_dma source(%arg4 : memref<8x1024xf32, #tpu.memory_space<vmem>>) target(%dma_start3A_231 : memref<8x1024xf32, #tpu.memory_space<hbm>>) target_semaphore(%arg5 : memref<!tpu.dma_semaphore, #tpu.memory_space<semaphore_mem>>)
    %add3A_232 = arith.constant 7 : i32
    %add3A_233 = arith.addi %mul3A_2, %add3A_232 : i32
    %jit3A_234 = arith.constant 16 : i32
    %div3A_235 = arith.divsi %add3A_233, %jit3A_234 : i32
    %sign3A_236 = arith.constant 0 : i32
    %sign3A_237 = arith.cmpi sgt, %add3A_233, %sign3A_236 : i32
    %sign3A_238 = arith.extui %sign3A_237 : i1 to i32
    %sign3A_239 = arith.constant 0 : i32
    %sign3A_240 = arith.cmpi slt, %add3A_233, %sign3A_239 : i32
    %sign3A_241 = arith.extui %sign3A_240 : i1 to i32
    %sign3A_242 = arith.subi %sign3A_238, %sign3A_241 : i32
    %sign3A_243 = arith.constant 0 : i32
    %sign3A_244 = arith.cmpi sgt, %jit3A_234, %sign3A_243 : i32
    %sign3A_245 = arith.extui %sign3A_244 : i1 to i32
    %sign3A_246 = arith.constant 0 : i32
    %sign3A_247 = arith.cmpi slt, %jit3A_234, %sign3A_246 : i32
    %sign3A_248 = arith.extui %sign3A_247 : i1 to i32
    %sign3A_249 = arith.subi %sign3A_245, %sign3A_248 : i32
    %ne3A_250 = arith.cmpi ne, %sign3A_242, %sign3A_249 : i32
    %rem3A_251 = arith.remsi %add3A_233, %jit3A_234 : i32
    %ne3A_252 = arith.constant 0 : i32
    %ne3A_253 = arith.cmpi ne, %rem3A_251, %ne3A_252 : i32
    %and3A_254 = arith.andi %ne3A_250, %ne3A_253 : i1
    %sub3A_255 = arith.constant 1 : i32
    %sub3A_256 = arith.subi %div3A_235, %sub3A_255 : i32
    %select_n3A_257 = arith.select %and3A_254, %sub3A_256, %div3A_235 : i32
    %rem3A_258 = arith.constant 16 : i32
    %rem3A_259 = arith.remsi %add3A_233, %rem3A_258 : i32
    %mul3A_260 = arith.constant 8 : i32
    %mul3A_261 = arith.muli %select_n3A_257, %mul3A_260 : i32
    %mul3A_262 = arith.constant 1024 : i32
    %mul3A_263 = arith.muli %rem3A_259, %mul3A_262 : i32
    %dma_start3A_264 = tpu.memref_slice %arg3[%mul3A_261, %mul3A_263] : memref<208x16384xf32, #tpu.memory_space<hbm>> -> memref<8x1024xf32, #tpu.memory_space<hbm>>
    %dma_start3A_265 = tpu.memref_slice %arg3[%mul3A_261, %mul3A_263] : memref<208x16384xf32, #tpu.memory_space<hbm>> -> memref<8x1024xf32, #tpu.memory_space<hbm>>
    tpu.enqueue_dma source(%arg4 : memref<8x1024xf32, #tpu.memory_space<vmem>>) target(%dma_start3A_265 : memref<8x1024xf32, #tpu.memory_space<hbm>>) target_semaphore(%arg5 : memref<!tpu.dma_semaphore, #tpu.memory_space<semaphore_mem>>)
    %add3A_266 = arith.constant 8 : i32
    %add3A_267 = arith.addi %mul3A_2, %add3A_266 : i32
    %jit3A_268 = arith.constant 16 : i32
    %div3A_269 = arith.divsi %add3A_267, %jit3A_268 : i32
    %sign3A_270 = arith.constant 0 : i32
    %sign3A_271 = arith.cmpi sgt, %add3A_267, %sign3A_270 : i32
    %sign3A_272 = arith.extui %sign3A_271 : i1 to i32
    %sign3A_273 = arith.constant 0 : i32
    %sign3A_274 = arith.cmpi slt, %add3A_267, %sign3A_273 : i32
    %sign3A_275 = arith.extui %sign3A_274 : i1 to i32
    %sign3A_276 = arith.subi %sign3A_272, %sign3A_275 : i32
    %sign3A_277 = arith.constant 0 : i32
    %sign3A_278 = arith.cmpi sgt, %jit3A_268, %sign3A_277 : i32
    %sign3A_279 = arith.extui %sign3A_278 : i1 to i32
    %sign3A_280 = arith.constant 0 : i32
    %sign3A_281 = arith.cmpi slt, %jit3A_268, %sign3A_280 : i32
    %sign3A_282 = arith.extui %sign3A_281 : i1 to i32
    %sign3A_283 = arith.subi %sign3A_279, %sign3A_282 : i32
    %ne3A_284 = arith.cmpi ne, %sign3A_276, %sign3A_283 : i32
    %rem3A_285 = arith.remsi %add3A_267, %jit3A_268 : i32
    %ne3A_286 = arith.constant 0 : i32
    %ne3A_287 = arith.cmpi ne, %rem3A_285, %ne3A_286 : i32
    %and3A_288 = arith.andi %ne3A_284, %ne3A_287 : i1
    %sub3A_289 = arith.constant 1 : i32
    %sub3A_290 = arith.subi %div3A_269, %sub3A_289 : i32
    %select_n3A_291 = arith.select %and3A_288, %sub3A_290, %div3A_269 : i32
    %rem3A_292 = arith.constant 16 : i32
    %rem3A_293 = arith.remsi %add3A_267, %rem3A_292 : i32
    %mul3A_294 = arith.constant 8 : i32
    %mul3A_295 = arith.muli %select_n3A_291, %mul3A_294 : i32
    %mul3A_296 = arith.constant 1024 : i32
    %mul3A_297 = arith.muli %rem3A_293, %mul3A_296 : i32
    %dma_start3A_298 = tpu.memref_slice %arg3[%mul3A_295, %mul3A_297] : memref<208x16384xf32, #tpu.memory_space<hbm>> -> memref<8x1024xf32, #tpu.memory_space<hbm>>
    %dma_start3A_299 = tpu.memref_slice %arg3[%mul3A_295, %mul3A_297] : memref<208x16384xf32, #tpu.memory_space<hbm>> -> memref<8x1024xf32, #tpu.memory_space<hbm>>
    tpu.enqueue_dma source(%arg4 : memref<8x1024xf32, #tpu.memory_space<vmem>>) target(%dma_start3A_299 : memref<8x1024xf32, #tpu.memory_space<hbm>>) target_semaphore(%arg5 : memref<!tpu.dma_semaphore, #tpu.memory_space<semaphore_mem>>)
    %add3A_300 = arith.constant 9 : i32
    %add3A_301 = arith.addi %mul3A_2, %add3A_300 : i32
    %jit3A_302 = arith.constant 16 : i32
    %div3A_303 = arith.divsi %add3A_301, %jit3A_302 : i32
    %sign3A_304 = arith.constant 0 : i32
    %sign3A_305 = arith.cmpi sgt, %add3A_301, %sign3A_304 : i32
    %sign3A_306 = arith.extui %sign3A_305 : i1 to i32
    %sign3A_307 = arith.constant 0 : i32
    %sign3A_308 = arith.cmpi slt, %add3A_301, %sign3A_307 : i32
    %sign3A_309 = arith.extui %sign3A_308 : i1 to i32
    %sign3A_310 = arith.subi %sign3A_306, %sign3A_309 : i32
    %sign3A_311 = arith.constant 0 : i32
    %sign3A_312 = arith.cmpi sgt, %jit3A_302, %sign3A_311 : i32
    %sign3A_313 = arith.extui %sign3A_312 : i1 to i32
    %sign3A_314 = arith.constant 0 : i32
    %sign3A_315 = arith.cmpi slt, %jit3A_302, %sign3A_314 : i32
    %sign3A_316 = arith.extui %sign3A_315 : i1 to i32
    %sign3A_317 = arith.subi %sign3A_313, %sign3A_316 : i32
    %ne3A_318 = arith.cmpi ne, %sign3A_310, %sign3A_317 : i32
    %rem3A_319 = arith.remsi %add3A_301, %jit3A_302 : i32
    %ne3A_320 = arith.constant 0 : i32
    %ne3A_321 = arith.cmpi ne, %rem3A_319, %ne3A_320 : i32
    %and3A_322 = arith.andi %ne3A_318, %ne3A_321 : i1
    %sub3A_323 = arith.constant 1 : i32
    %sub3A_324 = arith.subi %div3A_303, %sub3A_323 : i32
    %select_n3A_325 = arith.select %and3A_322, %sub3A_324, %div3A_303 : i32
    %rem3A_326 = arith.constant 16 : i32
    %rem3A_327 = arith.remsi %add3A_301, %rem3A_326 : i32
    %mul3A_328 = arith.constant 8 : i32
    %mul3A_329 = arith.muli %select_n3A_325, %mul3A_328 : i32
    %mul3A_330 = arith.constant 1024 : i32
    %mul3A_331 = arith.muli %rem3A_327, %mul3A_330 : i32
    %dma_start3A_332 = tpu.memref_slice %arg3[%mul3A_329, %mul3A_331] : memref<208x16384xf32, #tpu.memory_space<hbm>> -> memref<8x1024xf32, #tpu.memory_space<hbm>>
    %dma_start3A_333 = tpu.memref_slice %arg3[%mul3A_329, %mul3A_331] : memref<208x16384xf32, #tpu.memory_space<hbm>> -> memref<8x1024xf32, #tpu.memory_space<hbm>>
    tpu.enqueue_dma source(%arg4 : memref<8x1024xf32, #tpu.memory_space<vmem>>) target(%dma_start3A_333 : memref<8x1024xf32, #tpu.memory_space<hbm>>) target_semaphore(%arg5 : memref<!tpu.dma_semaphore, #tpu.memory_space<semaphore_mem>>)
    %add3A_334 = arith.constant 10 : i32
    %add3A_335 = arith.addi %mul3A_2, %add3A_334 : i32
    %jit3A_336 = arith.constant 16 : i32
    %div3A_337 = arith.divsi %add3A_335, %jit3A_336 : i32
    %sign3A_338 = arith.constant 0 : i32
    %sign3A_339 = arith.cmpi sgt, %add3A_335, %sign3A_338 : i32
    %sign3A_340 = arith.extui %sign3A_339 : i1 to i32
    %sign3A_341 = arith.constant 0 : i32
    %sign3A_342 = arith.cmpi slt, %add3A_335, %sign3A_341 : i32
    %sign3A_343 = arith.extui %sign3A_342 : i1 to i32
    %sign3A_344 = arith.subi %sign3A_340, %sign3A_343 : i32
    %sign3A_345 = arith.constant 0 : i32
    %sign3A_346 = arith.cmpi sgt, %jit3A_336, %sign3A_345 : i32
    %sign3A_347 = arith.extui %sign3A_346 : i1 to i32
    %sign3A_348 = arith.constant 0 : i32
    %sign3A_349 = arith.cmpi slt, %jit3A_336, %sign3A_348 : i32
    %sign3A_350 = arith.extui %sign3A_349 : i1 to i32
    %sign3A_351 = arith.subi %sign3A_347, %sign3A_350 : i32
    %ne3A_352 = arith.cmpi ne, %sign3A_344, %sign3A_351 : i32
    %rem3A_353 = arith.remsi %add3A_335, %jit3A_336 : i32
    %ne3A_354 = arith.constant 0 : i32
    %ne3A_355 = arith.cmpi ne, %rem3A_353, %ne3A_354 : i32
    %and3A_356 = arith.andi %ne3A_352, %ne3A_355 : i1
    %sub3A_357 = arith.constant 1 : i32
    %sub3A_358 = arith.subi %div3A_337, %sub3A_357 : i32
    %select_n3A_359 = arith.select %and3A_356, %sub3A_358, %div3A_337 : i32
    %rem3A_360 = arith.constant 16 : i32
    %rem3A_361 = arith.remsi %add3A_335, %rem3A_360 : i32
    %mul3A_362 = arith.constant 8 : i32
    %mul3A_363 = arith.muli %select_n3A_359, %mul3A_362 : i32
    %mul3A_364 = arith.constant 1024 : i32
    %mul3A_365 = arith.muli %rem3A_361, %mul3A_364 : i32
    %dma_start3A_366 = tpu.memref_slice %arg3[%mul3A_363, %mul3A_365] : memref<208x16384xf32, #tpu.memory_space<hbm>> -> memref<8x1024xf32, #tpu.memory_space<hbm>>
    %dma_start3A_367 = tpu.memref_slice %arg3[%mul3A_363, %mul3A_365] : memref<208x16384xf32, #tpu.memory_space<hbm>> -> memref<8x1024xf32, #tpu.memory_space<hbm>>
    tpu.enqueue_dma source(%arg4 : memref<8x1024xf32, #tpu.memory_space<vmem>>) target(%dma_start3A_367 : memref<8x1024xf32, #tpu.memory_space<hbm>>) target_semaphore(%arg5 : memref<!tpu.dma_semaphore, #tpu.memory_space<semaphore_mem>>)
    %add3A_368 = arith.constant 11 : i32
    %add3A_369 = arith.addi %mul3A_2, %add3A_368 : i32
    %jit3A_370 = arith.constant 16 : i32
    %div3A_371 = arith.divsi %add3A_369, %jit3A_370 : i32
    %sign3A_372 = arith.constant 0 : i32
    %sign3A_373 = arith.cmpi sgt, %add3A_369, %sign3A_372 : i32
    %sign3A_374 = arith.extui %sign3A_373 : i1 to i32
    %sign3A_375 = arith.constant 0 : i32
    %sign3A_376 = arith.cmpi slt, %add3A_369, %sign3A_375 : i32
    %sign3A_377 = arith.extui %sign3A_376 : i1 to i32
    %sign3A_378 = arith.subi %sign3A_374, %sign3A_377 : i32
    %sign3A_379 = arith.constant 0 : i32
    %sign3A_380 = arith.cmpi sgt, %jit3A_370, %sign3A_379 : i32
    %sign3A_381 = arith.extui %sign3A_380 : i1 to i32
    %sign3A_382 = arith.constant 0 : i32
    %sign3A_383 = arith.cmpi slt, %jit3A_370, %sign3A_382 : i32
    %sign3A_384 = arith.extui %sign3A_383 : i1 to i32
    %sign3A_385 = arith.subi %sign3A_381, %sign3A_384 : i32
    %ne3A_386 = arith.cmpi ne, %sign3A_378, %sign3A_385 : i32
    %rem3A_387 = arith.remsi %add3A_369, %jit3A_370 : i32
    %ne3A_388 = arith.constant 0 : i32
    %ne3A_389 = arith.cmpi ne, %rem3A_387, %ne3A_388 : i32
    %and3A_390 = arith.andi %ne3A_386, %ne3A_389 : i1
    %sub3A_391 = arith.constant 1 : i32
    %sub3A_392 = arith.subi %div3A_371, %sub3A_391 : i32
    %select_n3A_393 = arith.select %and3A_390, %sub3A_392, %div3A_371 : i32
    %rem3A_394 = arith.constant 16 : i32
    %rem3A_395 = arith.remsi %add3A_369, %rem3A_394 : i32
    %mul3A_396 = arith.constant 8 : i32
    %mul3A_397 = arith.muli %select_n3A_393, %mul3A_396 : i32
    %mul3A_398 = arith.constant 1024 : i32
    %mul3A_399 = arith.muli %rem3A_395, %mul3A_398 : i32
    %dma_start3A_400 = tpu.memref_slice %arg3[%mul3A_397, %mul3A_399] : memref<208x16384xf32, #tpu.memory_space<hbm>> -> memref<8x1024xf32, #tpu.memory_space<hbm>>
    %dma_start3A_401 = tpu.memref_slice %arg3[%mul3A_397, %mul3A_399] : memref<208x16384xf32, #tpu.memory_space<hbm>> -> memref<8x1024xf32, #tpu.memory_space<hbm>>
    tpu.enqueue_dma source(%arg4 : memref<8x1024xf32, #tpu.memory_space<vmem>>) target(%dma_start3A_401 : memref<8x1024xf32, #tpu.memory_space<hbm>>) target_semaphore(%arg5 : memref<!tpu.dma_semaphore, #tpu.memory_space<semaphore_mem>>)
    %add3A_402 = arith.constant 12 : i32
    %add3A_403 = arith.addi %mul3A_2, %add3A_402 : i32
    %jit3A_404 = arith.constant 16 : i32
    %div3A_405 = arith.divsi %add3A_403, %jit3A_404 : i32
    %sign3A_406 = arith.constant 0 : i32
    %sign3A_407 = arith.cmpi sgt, %add3A_403, %sign3A_406 : i32
    %sign3A_408 = arith.extui %sign3A_407 : i1 to i32
    %sign3A_409 = arith.constant 0 : i32
    %sign3A_410 = arith.cmpi slt, %add3A_403, %sign3A_409 : i32
    %sign3A_411 = arith.extui %sign3A_410 : i1 to i32
    %sign3A_412 = arith.subi %sign3A_408, %sign3A_411 : i32
    %sign3A_413 = arith.constant 0 : i32
    %sign3A_414 = arith.cmpi sgt, %jit3A_404, %sign3A_413 : i32
    %sign3A_415 = arith.extui %sign3A_414 : i1 to i32
    %sign3A_416 = arith.constant 0 : i32
    %sign3A_417 = arith.cmpi slt, %jit3A_404, %sign3A_416 : i32
    %sign3A_418 = arith.extui %sign3A_417 : i1 to i32
    %sign3A_419 = arith.subi %sign3A_415, %sign3A_418 : i32
    %ne3A_420 = arith.cmpi ne, %sign3A_412, %sign3A_419 : i32
    %rem3A_421 = arith.remsi %add3A_403, %jit3A_404 : i32
    %ne3A_422 = arith.constant 0 : i32
    %ne3A_423 = arith.cmpi ne, %rem3A_421, %ne3A_422 : i32
    %and3A_424 = arith.andi %ne3A_420, %ne3A_423 : i1
    %sub3A_425 = arith.constant 1 : i32
    %sub3A_426 = arith.subi %div3A_405, %sub3A_425 : i32
    %select_n3A_427 = arith.select %and3A_424, %sub3A_426, %div3A_405 : i32
    %rem3A_428 = arith.constant 16 : i32
    %rem3A_429 = arith.remsi %add3A_403, %rem3A_428 : i32
    %mul3A_430 = arith.constant 8 : i32
    %mul3A_431 = arith.muli %select_n3A_427, %mul3A_430 : i32
    %mul3A_432 = arith.constant 1024 : i32
    %mul3A_433 = arith.muli %rem3A_429, %mul3A_432 : i32
    %dma_start3A_434 = tpu.memref_slice %arg3[%mul3A_431, %mul3A_433] : memref<208x16384xf32, #tpu.memory_space<hbm>> -> memref<8x1024xf32, #tpu.memory_space<hbm>>
    %dma_start3A_435 = tpu.memref_slice %arg3[%mul3A_431, %mul3A_433] : memref<208x16384xf32, #tpu.memory_space<hbm>> -> memref<8x1024xf32, #tpu.memory_space<hbm>>
    tpu.enqueue_dma source(%arg4 : memref<8x1024xf32, #tpu.memory_space<vmem>>) target(%dma_start3A_435 : memref<8x1024xf32, #tpu.memory_space<hbm>>) target_semaphore(%arg5 : memref<!tpu.dma_semaphore, #tpu.memory_space<semaphore_mem>>)
    %add3A_436 = arith.constant 0 : i32
    %add3A_437 = arith.addi %mul3A_2, %add3A_436 : i32
    %jit3A_438 = arith.constant 16 : i32
    %div3A_439 = arith.divsi %add3A_437, %jit3A_438 : i32
    %sign3A_440 = arith.constant 0 : i32
    %sign3A_441 = arith.cmpi sgt, %add3A_437, %sign3A_440 : i32
    %sign3A_442 = arith.extui %sign3A_441 : i1 to i32
    %sign3A_443 = arith.constant 0 : i32
    %sign3A_444 = arith.cmpi slt, %add3A_437, %sign3A_443 : i32
    %sign3A_445 = arith.extui %sign3A_444 : i1 to i32
    %sign3A_446 = arith.subi %sign3A_442, %sign3A_445 : i32
    %sign3A_447 = arith.constant 0 : i32
    %sign3A_448 = arith.cmpi sgt, %jit3A_438, %sign3A_447 : i32
    %sign3A_449 = arith.extui %sign3A_448 : i1 to i32
    %sign3A_450 = arith.constant 0 : i32
    %sign3A_451 = arith.cmpi slt, %jit3A_438, %sign3A_450 : i32
    %sign3A_452 = arith.extui %sign3A_451 : i1 to i32
    %sign3A_453 = arith.subi %sign3A_449, %sign3A_452 : i32
    %ne3A_454 = arith.cmpi ne, %sign3A_446, %sign3A_453 : i32
    %rem3A_455 = arith.remsi %add3A_437, %jit3A_438 : i32
    %ne3A_456 = arith.constant 0 : i32
    %ne3A_457 = arith.cmpi ne, %rem3A_455, %ne3A_456 : i32
    %and3A_458 = arith.andi %ne3A_454, %ne3A_457 : i1
    %sub3A_459 = arith.constant 1 : i32
    %sub3A_460 = arith.subi %div3A_439, %sub3A_459 : i32
    %select_n3A_461 = arith.select %and3A_458, %sub3A_460, %div3A_439 : i32
    %rem3A_462 = arith.constant 16 : i32
    %rem3A_463 = arith.remsi %add3A_437, %rem3A_462 : i32
    %mul3A_464 = arith.constant 8 : i32
    %mul3A_465 = arith.muli %select_n3A_461, %mul3A_464 : i32
    %mul3A_466 = arith.constant 1024 : i32
    %mul3A_467 = arith.muli %rem3A_463, %mul3A_466 : i32
    %dma_wait3A = tpu.memref_slice %arg3[%mul3A_465, %mul3A_467] : memref<208x16384xf32, #tpu.memory_space<hbm>> -> memref<8x1024xf32, #tpu.memory_space<hbm>>
    %dma_wait3A_468 = tpu.memref_slice %arg3[%mul3A_465, %mul3A_467] : memref<208x16384xf32, #tpu.memory_space<hbm>> -> memref<8x1024xf32, #tpu.memory_space<hbm>>
    tpu.wait_dma2 semaphore(%arg5 : memref<!tpu.dma_semaphore, #tpu.memory_space<semaphore_mem>>) src(%arg4 : memref<8x1024xf32, #tpu.memory_space<vmem>>) dst(%dma_wait3A_468 : memref<8x1024xf32, #tpu.memory_space<hbm>>)
    %add3A_469 = arith.constant 1 : i32
    %add3A_470 = arith.addi %mul3A_2, %add3A_469 : i32
    %jit3A_471 = arith.constant 16 : i32
    %div3A_472 = arith.divsi %add3A_470, %jit3A_471 : i32
    %sign3A_473 = arith.constant 0 : i32
    %sign3A_474 = arith.cmpi sgt, %add3A_470, %sign3A_473 : i32
    %sign3A_475 = arith.extui %sign3A_474 : i1 to i32
    %sign3A_476 = arith.constant 0 : i32
    %sign3A_477 = arith.cmpi slt, %add3A_470, %sign3A_476 : i32
    %sign3A_478 = arith.extui %sign3A_477 : i1 to i32
    %sign3A_479 = arith.subi %sign3A_475, %sign3A_478 : i32
    %sign3A_480 = arith.constant 0 : i32
    %sign3A_481 = arith.cmpi sgt, %jit3A_471, %sign3A_480 : i32
    %sign3A_482 = arith.extui %sign3A_481 : i1 to i32
    %sign3A_483 = arith.constant 0 : i32
    %sign3A_484 = arith.cmpi slt, %jit3A_471, %sign3A_483 : i32
    %sign3A_485 = arith.extui %sign3A_484 : i1 to i32
    %sign3A_486 = arith.subi %sign3A_482, %sign3A_485 : i32
    %ne3A_487 = arith.cmpi ne, %sign3A_479, %sign3A_486 : i32
    %rem3A_488 = arith.remsi %add3A_470, %jit3A_471 : i32
    %ne3A_489 = arith.constant 0 : i32
    %ne3A_490 = arith.cmpi ne, %rem3A_488, %ne3A_489 : i32
    %and3A_491 = arith.andi %ne3A_487, %ne3A_490 : i1
    %sub3A_492 = arith.constant 1 : i32
    %sub3A_493 = arith.subi %div3A_472, %sub3A_492 : i32
    %select_n3A_494 = arith.select %and3A_491, %sub3A_493, %div3A_472 : i32
    %rem3A_495 = arith.constant 16 : i32
    %rem3A_496 = arith.remsi %add3A_470, %rem3A_495 : i32
    %mul3A_497 = arith.constant 8 : i32
    %mul3A_498 = arith.muli %select_n3A_494, %mul3A_497 : i32
    %mul3A_499 = arith.constant 1024 : i32
    %mul3A_500 = arith.muli %rem3A_496, %mul3A_499 : i32
    %dma_wait3A_501 = tpu.memref_slice %arg3[%mul3A_498, %mul3A_500] : memref<208x16384xf32, #tpu.memory_space<hbm>> -> memref<8x1024xf32, #tpu.memory_space<hbm>>
    %dma_wait3A_502 = tpu.memref_slice %arg3[%mul3A_498, %mul3A_500] : memref<208x16384xf32, #tpu.memory_space<hbm>> -> memref<8x1024xf32, #tpu.memory_space<hbm>>
    tpu.wait_dma2 semaphore(%arg5 : memref<!tpu.dma_semaphore, #tpu.memory_space<semaphore_mem>>) src(%arg4 : memref<8x1024xf32, #tpu.memory_space<vmem>>) dst(%dma_wait3A_502 : memref<8x1024xf32, #tpu.memory_space<hbm>>)
    %add3A_503 = arith.constant 2 : i32
    %add3A_504 = arith.addi %mul3A_2, %add3A_503 : i32
    %jit3A_505 = arith.constant 16 : i32
    %div3A_506 = arith.divsi %add3A_504, %jit3A_505 : i32
    %sign3A_507 = arith.constant 0 : i32
    %sign3A_508 = arith.cmpi sgt, %add3A_504, %sign3A_507 : i32
    %sign3A_509 = arith.extui %sign3A_508 : i1 to i32
    %sign3A_510 = arith.constant 0 : i32
    %sign3A_511 = arith.cmpi slt, %add3A_504, %sign3A_510 : i32
    %sign3A_512 = arith.extui %sign3A_511 : i1 to i32
    %sign3A_513 = arith.subi %sign3A_509, %sign3A_512 : i32
    %sign3A_514 = arith.constant 0 : i32
    %sign3A_515 = arith.cmpi sgt, %jit3A_505, %sign3A_514 : i32
    %sign3A_516 = arith.extui %sign3A_515 : i1 to i32
    %sign3A_517 = arith.constant 0 : i32
    %sign3A_518 = arith.cmpi slt, %jit3A_505, %sign3A_517 : i32
    %sign3A_519 = arith.extui %sign3A_518 : i1 to i32
    %sign3A_520 = arith.subi %sign3A_516, %sign3A_519 : i32
    %ne3A_521 = arith.cmpi ne, %sign3A_513, %sign3A_520 : i32
    %rem3A_522 = arith.remsi %add3A_504, %jit3A_505 : i32
    %ne3A_523 = arith.constant 0 : i32
    %ne3A_524 = arith.cmpi ne, %rem3A_522, %ne3A_523 : i32
    %and3A_525 = arith.andi %ne3A_521, %ne3A_524 : i1
    %sub3A_526 = arith.constant 1 : i32
    %sub3A_527 = arith.subi %div3A_506, %sub3A_526 : i32
    %select_n3A_528 = arith.select %and3A_525, %sub3A_527, %div3A_506 : i32
    %rem3A_529 = arith.constant 16 : i32
    %rem3A_530 = arith.remsi %add3A_504, %rem3A_529 : i32
    %mul3A_531 = arith.constant 8 : i32
    %mul3A_532 = arith.muli %select_n3A_528, %mul3A_531 : i32
    %mul3A_533 = arith.constant 1024 : i32
    %mul3A_534 = arith.muli %rem3A_530, %mul3A_533 : i32
    %dma_wait3A_535 = tpu.memref_slice %arg3[%mul3A_532, %mul3A_534] : memref<208x16384xf32, #tpu.memory_space<hbm>> -> memref<8x1024xf32, #tpu.memory_space<hbm>>
    %dma_wait3A_536 = tpu.memref_slice %arg3[%mul3A_532, %mul3A_534] : memref<208x16384xf32, #tpu.memory_space<hbm>> -> memref<8x1024xf32, #tpu.memory_space<hbm>>
    tpu.wait_dma2 semaphore(%arg5 : memref<!tpu.dma_semaphore, #tpu.memory_space<semaphore_mem>>) src(%arg4 : memref<8x1024xf32, #tpu.memory_space<vmem>>) dst(%dma_wait3A_536 : memref<8x1024xf32, #tpu.memory_space<hbm>>)
    %add3A_537 = arith.constant 3 : i32
    %add3A_538 = arith.addi %mul3A_2, %add3A_537 : i32
    %jit3A_539 = arith.constant 16 : i32
    %div3A_540 = arith.divsi %add3A_538, %jit3A_539 : i32
    %sign3A_541 = arith.constant 0 : i32
    %sign3A_542 = arith.cmpi sgt, %add3A_538, %sign3A_541 : i32
    %sign3A_543 = arith.extui %sign3A_542 : i1 to i32
    %sign3A_544 = arith.constant 0 : i32
    %sign3A_545 = arith.cmpi slt, %add3A_538, %sign3A_544 : i32
    %sign3A_546 = arith.extui %sign3A_545 : i1 to i32
    %sign3A_547 = arith.subi %sign3A_543, %sign3A_546 : i32
    %sign3A_548 = arith.constant 0 : i32
    %sign3A_549 = arith.cmpi sgt, %jit3A_539, %sign3A_548 : i32
    %sign3A_550 = arith.extui %sign3A_549 : i1 to i32
    %sign3A_551 = arith.constant 0 : i32
    %sign3A_552 = arith.cmpi slt, %jit3A_539, %sign3A_551 : i32
    %sign3A_553 = arith.extui %sign3A_552 : i1 to i32
    %sign3A_554 = arith.subi %sign3A_550, %sign3A_553 : i32
    %ne3A_555 = arith.cmpi ne, %sign3A_547, %sign3A_554 : i32
    %rem3A_556 = arith.remsi %add3A_538, %jit3A_539 : i32
    %ne3A_557 = arith.constant 0 : i32
    %ne3A_558 = arith.cmpi ne, %rem3A_556, %ne3A_557 : i32
    %and3A_559 = arith.andi %ne3A_555, %ne3A_558 : i1
    %sub3A_560 = arith.constant 1 : i32
    %sub3A_561 = arith.subi %div3A_540, %sub3A_560 : i32
    %select_n3A_562 = arith.select %and3A_559, %sub3A_561, %div3A_540 : i32
    %rem3A_563 = arith.constant 16 : i32
    %rem3A_564 = arith.remsi %add3A_538, %rem3A_563 : i32
    %mul3A_565 = arith.constant 8 : i32
    %mul3A_566 = arith.muli %select_n3A_562, %mul3A_565 : i32
    %mul3A_567 = arith.constant 1024 : i32
    %mul3A_568 = arith.muli %rem3A_564, %mul3A_567 : i32
    %dma_wait3A_569 = tpu.memref_slice %arg3[%mul3A_566, %mul3A_568] : memref<208x16384xf32, #tpu.memory_space<hbm>> -> memref<8x1024xf32, #tpu.memory_space<hbm>>
    %dma_wait3A_570 = tpu.memref_slice %arg3[%mul3A_566, %mul3A_568] : memref<208x16384xf32, #tpu.memory_space<hbm>> -> memref<8x1024xf32, #tpu.memory_space<hbm>>
    tpu.wait_dma2 semaphore(%arg5 : memref<!tpu.dma_semaphore, #tpu.memory_space<semaphore_mem>>) src(%arg4 : memref<8x1024xf32, #tpu.memory_space<vmem>>) dst(%dma_wait3A_570 : memref<8x1024xf32, #tpu.memory_space<hbm>>)
    %add3A_571 = arith.constant 4 : i32
    %add3A_572 = arith.addi %mul3A_2, %add3A_571 : i32
    %jit3A_573 = arith.constant 16 : i32
    %div3A_574 = arith.divsi %add3A_572, %jit3A_573 : i32
    %sign3A_575 = arith.constant 0 : i32
    %sign3A_576 = arith.cmpi sgt, %add3A_572, %sign3A_575 : i32
    %sign3A_577 = arith.extui %sign3A_576 : i1 to i32
    %sign3A_578 = arith.constant 0 : i32
    %sign3A_579 = arith.cmpi slt, %add3A_572, %sign3A_578 : i32
    %sign3A_580 = arith.extui %sign3A_579 : i1 to i32
    %sign3A_581 = arith.subi %sign3A_577, %sign3A_580 : i32
    %sign3A_582 = arith.constant 0 : i32
    %sign3A_583 = arith.cmpi sgt, %jit3A_573, %sign3A_582 : i32
    %sign3A_584 = arith.extui %sign3A_583 : i1 to i32
    %sign3A_585 = arith.constant 0 : i32
    %sign3A_586 = arith.cmpi slt, %jit3A_573, %sign3A_585 : i32
    %sign3A_587 = arith.extui %sign3A_586 : i1 to i32
    %sign3A_588 = arith.subi %sign3A_584, %sign3A_587 : i32
    %ne3A_589 = arith.cmpi ne, %sign3A_581, %sign3A_588 : i32
    %rem3A_590 = arith.remsi %add3A_572, %jit3A_573 : i32
    %ne3A_591 = arith.constant 0 : i32
    %ne3A_592 = arith.cmpi ne, %rem3A_590, %ne3A_591 : i32
    %and3A_593 = arith.andi %ne3A_589, %ne3A_592 : i1
    %sub3A_594 = arith.constant 1 : i32
    %sub3A_595 = arith.subi %div3A_574, %sub3A_594 : i32
    %select_n3A_596 = arith.select %and3A_593, %sub3A_595, %div3A_574 : i32
    %rem3A_597 = arith.constant 16 : i32
    %rem3A_598 = arith.remsi %add3A_572, %rem3A_597 : i32
    %mul3A_599 = arith.constant 8 : i32
    %mul3A_600 = arith.muli %select_n3A_596, %mul3A_599 : i32
    %mul3A_601 = arith.constant 1024 : i32
    %mul3A_602 = arith.muli %rem3A_598, %mul3A_601 : i32
    %dma_wait3A_603 = tpu.memref_slice %arg3[%mul3A_600, %mul3A_602] : memref<208x16384xf32, #tpu.memory_space<hbm>> -> memref<8x1024xf32, #tpu.memory_space<hbm>>
    %dma_wait3A_604 = tpu.memref_slice %arg3[%mul3A_600, %mul3A_602] : memref<208x16384xf32, #tpu.memory_space<hbm>> -> memref<8x1024xf32, #tpu.memory_space<hbm>>
    tpu.wait_dma2 semaphore(%arg5 : memref<!tpu.dma_semaphore, #tpu.memory_space<semaphore_mem>>) src(%arg4 : memref<8x1024xf32, #tpu.memory_space<vmem>>) dst(%dma_wait3A_604 : memref<8x1024xf32, #tpu.memory_space<hbm>>)
    %add3A_605 = arith.constant 5 : i32
    %add3A_606 = arith.addi %mul3A_2, %add3A_605 : i32
    %jit3A_607 = arith.constant 16 : i32
    %div3A_608 = arith.divsi %add3A_606, %jit3A_607 : i32
    %sign3A_609 = arith.constant 0 : i32
    %sign3A_610 = arith.cmpi sgt, %add3A_606, %sign3A_609 : i32
    %sign3A_611 = arith.extui %sign3A_610 : i1 to i32
    %sign3A_612 = arith.constant 0 : i32
    %sign3A_613 = arith.cmpi slt, %add3A_606, %sign3A_612 : i32
    %sign3A_614 = arith.extui %sign3A_613 : i1 to i32
    %sign3A_615 = arith.subi %sign3A_611, %sign3A_614 : i32
    %sign3A_616 = arith.constant 0 : i32
    %sign3A_617 = arith.cmpi sgt, %jit3A_607, %sign3A_616 : i32
    %sign3A_618 = arith.extui %sign3A_617 : i1 to i32
    %sign3A_619 = arith.constant 0 : i32
    %sign3A_620 = arith.cmpi slt, %jit3A_607, %sign3A_619 : i32
    %sign3A_621 = arith.extui %sign3A_620 : i1 to i32
    %sign3A_622 = arith.subi %sign3A_618, %sign3A_621 : i32
    %ne3A_623 = arith.cmpi ne, %sign3A_615, %sign3A_622 : i32
    %rem3A_624 = arith.remsi %add3A_606, %jit3A_607 : i32
    %ne3A_625 = arith.constant 0 : i32
    %ne3A_626 = arith.cmpi ne, %rem3A_624, %ne3A_625 : i32
    %and3A_627 = arith.andi %ne3A_623, %ne3A_626 : i1
    %sub3A_628 = arith.constant 1 : i32
    %sub3A_629 = arith.subi %div3A_608, %sub3A_628 : i32
    %select_n3A_630 = arith.select %and3A_627, %sub3A_629, %div3A_608 : i32
    %rem3A_631 = arith.constant 16 : i32
    %rem3A_632 = arith.remsi %add3A_606, %rem3A_631 : i32
    %mul3A_633 = arith.constant 8 : i32
    %mul3A_634 = arith.muli %select_n3A_630, %mul3A_633 : i32
    %mul3A_635 = arith.constant 1024 : i32
    %mul3A_636 = arith.muli %rem3A_632, %mul3A_635 : i32
    %dma_wait3A_637 = tpu.memref_slice %arg3[%mul3A_634, %mul3A_636] : memref<208x16384xf32, #tpu.memory_space<hbm>> -> memref<8x1024xf32, #tpu.memory_space<hbm>>
    %dma_wait3A_638 = tpu.memref_slice %arg3[%mul3A_634, %mul3A_636] : memref<208x16384xf32, #tpu.memory_space<hbm>> -> memref<8x1024xf32, #tpu.memory_space<hbm>>
    tpu.wait_dma2 semaphore(%arg5 : memref<!tpu.dma_semaphore, #tpu.memory_space<semaphore_mem>>) src(%arg4 : memref<8x1024xf32, #tpu.memory_space<vmem>>) dst(%dma_wait3A_638 : memref<8x1024xf32, #tpu.memory_space<hbm>>)
    %add3A_639 = arith.constant 6 : i32
    %add3A_640 = arith.addi %mul3A_2, %add3A_639 : i32
    %jit3A_641 = arith.constant 16 : i32
    %div3A_642 = arith.divsi %add3A_640, %jit3A_641 : i32
    %sign3A_643 = arith.constant 0 : i32
    %sign3A_644 = arith.cmpi sgt, %add3A_640, %sign3A_643 : i32
    %sign3A_645 = arith.extui %sign3A_644 : i1 to i32
    %sign3A_646 = arith.constant 0 : i32
    %sign3A_647 = arith.cmpi slt, %add3A_640, %sign3A_646 : i32
    %sign3A_648 = arith.extui %sign3A_647 : i1 to i32
    %sign3A_649 = arith.subi %sign3A_645, %sign3A_648 : i32
    %sign3A_650 = arith.constant 0 : i32
    %sign3A_651 = arith.cmpi sgt, %jit3A_641, %sign3A_650 : i32
    %sign3A_652 = arith.extui %sign3A_651 : i1 to i32
    %sign3A_653 = arith.constant 0 : i32
    %sign3A_654 = arith.cmpi slt, %jit3A_641, %sign3A_653 : i32
    %sign3A_655 = arith.extui %sign3A_654 : i1 to i32
    %sign3A_656 = arith.subi %sign3A_652, %sign3A_655 : i32
    %ne3A_657 = arith.cmpi ne, %sign3A_649, %sign3A_656 : i32
    %rem3A_658 = arith.remsi %add3A_640, %jit3A_641 : i32
    %ne3A_659 = arith.constant 0 : i32
    %ne3A_660 = arith.cmpi ne, %rem3A_658, %ne3A_659 : i32
    %and3A_661 = arith.andi %ne3A_657, %ne3A_660 : i1
    %sub3A_662 = arith.constant 1 : i32
    %sub3A_663 = arith.subi %div3A_642, %sub3A_662 : i32
    %select_n3A_664 = arith.select %and3A_661, %sub3A_663, %div3A_642 : i32
    %rem3A_665 = arith.constant 16 : i32
    %rem3A_666 = arith.remsi %add3A_640, %rem3A_665 : i32
    %mul3A_667 = arith.constant 8 : i32
    %mul3A_668 = arith.muli %select_n3A_664, %mul3A_667 : i32
    %mul3A_669 = arith.constant 1024 : i32
    %mul3A_670 = arith.muli %rem3A_666, %mul3A_669 : i32
    %dma_wait3A_671 = tpu.memref_slice %arg3[%mul3A_668, %mul3A_670] : memref<208x16384xf32, #tpu.memory_space<hbm>> -> memref<8x1024xf32, #tpu.memory_space<hbm>>
    %dma_wait3A_672 = tpu.memref_slice %arg3[%mul3A_668, %mul3A_670] : memref<208x16384xf32, #tpu.memory_space<hbm>> -> memref<8x1024xf32, #tpu.memory_space<hbm>>
    tpu.wait_dma2 semaphore(%arg5 : memref<!tpu.dma_semaphore, #tpu.memory_space<semaphore_mem>>) src(%arg4 : memref<8x1024xf32, #tpu.memory_space<vmem>>) dst(%dma_wait3A_672 : memref<8x1024xf32, #tpu.memory_space<hbm>>)
    %add3A_673 = arith.constant 7 : i32
    %add3A_674 = arith.addi %mul3A_2, %add3A_673 : i32
    %jit3A_675 = arith.constant 16 : i32
    %div3A_676 = arith.divsi %add3A_674, %jit3A_675 : i32
    %sign3A_677 = arith.constant 0 : i32
    %sign3A_678 = arith.cmpi sgt, %add3A_674, %sign3A_677 : i32
    %sign3A_679 = arith.extui %sign3A_678 : i1 to i32
    %sign3A_680 = arith.constant 0 : i32
    %sign3A_681 = arith.cmpi slt, %add3A_674, %sign3A_680 : i32
    %sign3A_682 = arith.extui %sign3A_681 : i1 to i32
    %sign3A_683 = arith.subi %sign3A_679, %sign3A_682 : i32
    %sign3A_684 = arith.constant 0 : i32
    %sign3A_685 = arith.cmpi sgt, %jit3A_675, %sign3A_684 : i32
    %sign3A_686 = arith.extui %sign3A_685 : i1 to i32
    %sign3A_687 = arith.constant 0 : i32
    %sign3A_688 = arith.cmpi slt, %jit3A_675, %sign3A_687 : i32
    %sign3A_689 = arith.extui %sign3A_688 : i1 to i32
    %sign3A_690 = arith.subi %sign3A_686, %sign3A_689 : i32
    %ne3A_691 = arith.cmpi ne, %sign3A_683, %sign3A_690 : i32
    %rem3A_692 = arith.remsi %add3A_674, %jit3A_675 : i32
    %ne3A_693 = arith.constant 0 : i32
    %ne3A_694 = arith.cmpi ne, %rem3A_692, %ne3A_693 : i32
    %and3A_695 = arith.andi %ne3A_691, %ne3A_694 : i1
    %sub3A_696 = arith.constant 1 : i32
    %sub3A_697 = arith.subi %div3A_676, %sub3A_696 : i32
    %select_n3A_698 = arith.select %and3A_695, %sub3A_697, %div3A_676 : i32
    %rem3A_699 = arith.constant 16 : i32
    %rem3A_700 = arith.remsi %add3A_674, %rem3A_699 : i32
    %mul3A_701 = arith.constant 8 : i32
    %mul3A_702 = arith.muli %select_n3A_698, %mul3A_701 : i32
    %mul3A_703 = arith.constant 1024 : i32
    %mul3A_704 = arith.muli %rem3A_700, %mul3A_703 : i32
    %dma_wait3A_705 = tpu.memref_slice %arg3[%mul3A_702, %mul3A_704] : memref<208x16384xf32, #tpu.memory_space<hbm>> -> memref<8x1024xf32, #tpu.memory_space<hbm>>
    %dma_wait3A_706 = tpu.memref_slice %arg3[%mul3A_702, %mul3A_704] : memref<208x16384xf32, #tpu.memory_space<hbm>> -> memref<8x1024xf32, #tpu.memory_space<hbm>>
    tpu.wait_dma2 semaphore(%arg5 : memref<!tpu.dma_semaphore, #tpu.memory_space<semaphore_mem>>) src(%arg4 : memref<8x1024xf32, #tpu.memory_space<vmem>>) dst(%dma_wait3A_706 : memref<8x1024xf32, #tpu.memory_space<hbm>>)
    %add3A_707 = arith.constant 8 : i32
    %add3A_708 = arith.addi %mul3A_2, %add3A_707 : i32
    %jit3A_709 = arith.constant 16 : i32
    %div3A_710 = arith.divsi %add3A_708, %jit3A_709 : i32
    %sign3A_711 = arith.constant 0 : i32
    %sign3A_712 = arith.cmpi sgt, %add3A_708, %sign3A_711 : i32
    %sign3A_713 = arith.extui %sign3A_712 : i1 to i32
    %sign3A_714 = arith.constant 0 : i32
    %sign3A_715 = arith.cmpi slt, %add3A_708, %sign3A_714 : i32
    %sign3A_716 = arith.extui %sign3A_715 : i1 to i32
    %sign3A_717 = arith.subi %sign3A_713, %sign3A_716 : i32
    %sign3A_718 = arith.constant 0 : i32
    %sign3A_719 = arith.cmpi sgt, %jit3A_709, %sign3A_718 : i32
    %sign3A_720 = arith.extui %sign3A_719 : i1 to i32
    %sign3A_721 = arith.constant 0 : i32
    %sign3A_722 = arith.cmpi slt, %jit3A_709, %sign3A_721 : i32
    %sign3A_723 = arith.extui %sign3A_722 : i1 to i32
    %sign3A_724 = arith.subi %sign3A_720, %sign3A_723 : i32
    %ne3A_725 = arith.cmpi ne, %sign3A_717, %sign3A_724 : i32
    %rem3A_726 = arith.remsi %add3A_708, %jit3A_709 : i32
    %ne3A_727 = arith.constant 0 : i32
    %ne3A_728 = arith.cmpi ne, %rem3A_726, %ne3A_727 : i32
    %and3A_729 = arith.andi %ne3A_725, %ne3A_728 : i1
    %sub3A_730 = arith.constant 1 : i32
    %sub3A_731 = arith.subi %div3A_710, %sub3A_730 : i32
    %select_n3A_732 = arith.select %and3A_729, %sub3A_731, %div3A_710 : i32
    %rem3A_733 = arith.constant 16 : i32
    %rem3A_734 = arith.remsi %add3A_708, %rem3A_733 : i32
    %mul3A_735 = arith.constant 8 : i32
    %mul3A_736 = arith.muli %select_n3A_732, %mul3A_735 : i32
    %mul3A_737 = arith.constant 1024 : i32
    %mul3A_738 = arith.muli %rem3A_734, %mul3A_737 : i32
    %dma_wait3A_739 = tpu.memref_slice %arg3[%mul3A_736, %mul3A_738] : memref<208x16384xf32, #tpu.memory_space<hbm>> -> memref<8x1024xf32, #tpu.memory_space<hbm>>
    %dma_wait3A_740 = tpu.memref_slice %arg3[%mul3A_736, %mul3A_738] : memref<208x16384xf32, #tpu.memory_space<hbm>> -> memref<8x1024xf32, #tpu.memory_space<hbm>>
    tpu.wait_dma2 semaphore(%arg5 : memref<!tpu.dma_semaphore, #tpu.memory_space<semaphore_mem>>) src(%arg4 : memref<8x1024xf32, #tpu.memory_space<vmem>>) dst(%dma_wait3A_740 : memref<8x1024xf32, #tpu.memory_space<hbm>>)
    %add3A_741 = arith.constant 9 : i32
    %add3A_742 = arith.addi %mul3A_2, %add3A_741 : i32
    %jit3A_743 = arith.constant 16 : i32
    %div3A_744 = arith.divsi %add3A_742, %jit3A_743 : i32
    %sign3A_745 = arith.constant 0 : i32
    %sign3A_746 = arith.cmpi sgt, %add3A_742, %sign3A_745 : i32
    %sign3A_747 = arith.extui %sign3A_746 : i1 to i32
    %sign3A_748 = arith.constant 0 : i32
    %sign3A_749 = arith.cmpi slt, %add3A_742, %sign3A_748 : i32
    %sign3A_750 = arith.extui %sign3A_749 : i1 to i32
    %sign3A_751 = arith.subi %sign3A_747, %sign3A_750 : i32
    %sign3A_752 = arith.constant 0 : i32
    %sign3A_753 = arith.cmpi sgt, %jit3A_743, %sign3A_752 : i32
    %sign3A_754 = arith.extui %sign3A_753 : i1 to i32
    %sign3A_755 = arith.constant 0 : i32
    %sign3A_756 = arith.cmpi slt, %jit3A_743, %sign3A_755 : i32
    %sign3A_757 = arith.extui %sign3A_756 : i1 to i32
    %sign3A_758 = arith.subi %sign3A_754, %sign3A_757 : i32
    %ne3A_759 = arith.cmpi ne, %sign3A_751, %sign3A_758 : i32
    %rem3A_760 = arith.remsi %add3A_742, %jit3A_743 : i32
    %ne3A_761 = arith.constant 0 : i32
    %ne3A_762 = arith.cmpi ne, %rem3A_760, %ne3A_761 : i32
    %and3A_763 = arith.andi %ne3A_759, %ne3A_762 : i1
    %sub3A_764 = arith.constant 1 : i32
    %sub3A_765 = arith.subi %div3A_744, %sub3A_764 : i32
    %select_n3A_766 = arith.select %and3A_763, %sub3A_765, %div3A_744 : i32
    %rem3A_767 = arith.constant 16 : i32
    %rem3A_768 = arith.remsi %add3A_742, %rem3A_767 : i32
    %mul3A_769 = arith.constant 8 : i32
    %mul3A_770 = arith.muli %select_n3A_766, %mul3A_769 : i32
    %mul3A_771 = arith.constant 1024 : i32
    %mul3A_772 = arith.muli %rem3A_768, %mul3A_771 : i32
    %dma_wait3A_773 = tpu.memref_slice %arg3[%mul3A_770, %mul3A_772] : memref<208x16384xf32, #tpu.memory_space<hbm>> -> memref<8x1024xf32, #tpu.memory_space<hbm>>
    %dma_wait3A_774 = tpu.memref_slice %arg3[%mul3A_770, %mul3A_772] : memref<208x16384xf32, #tpu.memory_space<hbm>> -> memref<8x1024xf32, #tpu.memory_space<hbm>>
    tpu.wait_dma2 semaphore(%arg5 : memref<!tpu.dma_semaphore, #tpu.memory_space<semaphore_mem>>) src(%arg4 : memref<8x1024xf32, #tpu.memory_space<vmem>>) dst(%dma_wait3A_774 : memref<8x1024xf32, #tpu.memory_space<hbm>>)
    %add3A_775 = arith.constant 10 : i32
    %add3A_776 = arith.addi %mul3A_2, %add3A_775 : i32
    %jit3A_777 = arith.constant 16 : i32
    %div3A_778 = arith.divsi %add3A_776, %jit3A_777 : i32
    %sign3A_779 = arith.constant 0 : i32
    %sign3A_780 = arith.cmpi sgt, %add3A_776, %sign3A_779 : i32
    %sign3A_781 = arith.extui %sign3A_780 : i1 to i32
    %sign3A_782 = arith.constant 0 : i32
    %sign3A_783 = arith.cmpi slt, %add3A_776, %sign3A_782 : i32
    %sign3A_784 = arith.extui %sign3A_783 : i1 to i32
    %sign3A_785 = arith.subi %sign3A_781, %sign3A_784 : i32
    %sign3A_786 = arith.constant 0 : i32
    %sign3A_787 = arith.cmpi sgt, %jit3A_777, %sign3A_786 : i32
    %sign3A_788 = arith.extui %sign3A_787 : i1 to i32
    %sign3A_789 = arith.constant 0 : i32
    %sign3A_790 = arith.cmpi slt, %jit3A_777, %sign3A_789 : i32
    %sign3A_791 = arith.extui %sign3A_790 : i1 to i32
    %sign3A_792 = arith.subi %sign3A_788, %sign3A_791 : i32
    %ne3A_793 = arith.cmpi ne, %sign3A_785, %sign3A_792 : i32
    %rem3A_794 = arith.remsi %add3A_776, %jit3A_777 : i32
    %ne3A_795 = arith.constant 0 : i32
    %ne3A_796 = arith.cmpi ne, %rem3A_794, %ne3A_795 : i32
    %and3A_797 = arith.andi %ne3A_793, %ne3A_796 : i1
    %sub3A_798 = arith.constant 1 : i32
    %sub3A_799 = arith.subi %div3A_778, %sub3A_798 : i32
    %select_n3A_800 = arith.select %and3A_797, %sub3A_799, %div3A_778 : i32
    %rem3A_801 = arith.constant 16 : i32
    %rem3A_802 = arith.remsi %add3A_776, %rem3A_801 : i32
    %mul3A_803 = arith.constant 8 : i32
    %mul3A_804 = arith.muli %select_n3A_800, %mul3A_803 : i32
    %mul3A_805 = arith.constant 1024 : i32
    %mul3A_806 = arith.muli %rem3A_802, %mul3A_805 : i32
    %dma_wait3A_807 = tpu.memref_slice %arg3[%mul3A_804, %mul3A_806] : memref<208x16384xf32, #tpu.memory_space<hbm>> -> memref<8x1024xf32, #tpu.memory_space<hbm>>
    %dma_wait3A_808 = tpu.memref_slice %arg3[%mul3A_804, %mul3A_806] : memref<208x16384xf32, #tpu.memory_space<hbm>> -> memref<8x1024xf32, #tpu.memory_space<hbm>>
    tpu.wait_dma2 semaphore(%arg5 : memref<!tpu.dma_semaphore, #tpu.memory_space<semaphore_mem>>) src(%arg4 : memref<8x1024xf32, #tpu.memory_space<vmem>>) dst(%dma_wait3A_808 : memref<8x1024xf32, #tpu.memory_space<hbm>>)
    %add3A_809 = arith.constant 11 : i32
    %add3A_810 = arith.addi %mul3A_2, %add3A_809 : i32
    %jit3A_811 = arith.constant 16 : i32
    %div3A_812 = arith.divsi %add3A_810, %jit3A_811 : i32
    %sign3A_813 = arith.constant 0 : i32
    %sign3A_814 = arith.cmpi sgt, %add3A_810, %sign3A_813 : i32
    %sign3A_815 = arith.extui %sign3A_814 : i1 to i32
    %sign3A_816 = arith.constant 0 : i32
    %sign3A_817 = arith.cmpi slt, %add3A_810, %sign3A_816 : i32
    %sign3A_818 = arith.extui %sign3A_817 : i1 to i32
    %sign3A_819 = arith.subi %sign3A_815, %sign3A_818 : i32
    %sign3A_820 = arith.constant 0 : i32
    %sign3A_821 = arith.cmpi sgt, %jit3A_811, %sign3A_820 : i32
    %sign3A_822 = arith.extui %sign3A_821 : i1 to i32
    %sign3A_823 = arith.constant 0 : i32
    %sign3A_824 = arith.cmpi slt, %jit3A_811, %sign3A_823 : i32
    %sign3A_825 = arith.extui %sign3A_824 : i1 to i32
    %sign3A_826 = arith.subi %sign3A_822, %sign3A_825 : i32
    %ne3A_827 = arith.cmpi ne, %sign3A_819, %sign3A_826 : i32
    %rem3A_828 = arith.remsi %add3A_810, %jit3A_811 : i32
    %ne3A_829 = arith.constant 0 : i32
    %ne3A_830 = arith.cmpi ne, %rem3A_828, %ne3A_829 : i32
    %and3A_831 = arith.andi %ne3A_827, %ne3A_830 : i1
    %sub3A_832 = arith.constant 1 : i32
    %sub3A_833 = arith.subi %div3A_812, %sub3A_832 : i32
    %select_n3A_834 = arith.select %and3A_831, %sub3A_833, %div3A_812 : i32
    %rem3A_835 = arith.constant 16 : i32
    %rem3A_836 = arith.remsi %add3A_810, %rem3A_835 : i32
    %mul3A_837 = arith.constant 8 : i32
    %mul3A_838 = arith.muli %select_n3A_834, %mul3A_837 : i32
    %mul3A_839 = arith.constant 1024 : i32
    %mul3A_840 = arith.muli %rem3A_836, %mul3A_839 : i32
    %dma_wait3A_841 = tpu.memref_slice %arg3[%mul3A_838, %mul3A_840] : memref<208x16384xf32, #tpu.memory_space<hbm>> -> memref<8x1024xf32, #tpu.memory_space<hbm>>
    %dma_wait3A_842 = tpu.memref_slice %arg3[%mul3A_838, %mul3A_840] : memref<208x16384xf32, #tpu.memory_space<hbm>> -> memref<8x1024xf32, #tpu.memory_space<hbm>>
    tpu.wait_dma2 semaphore(%arg5 : memref<!tpu.dma_semaphore, #tpu.memory_space<semaphore_mem>>) src(%arg4 : memref<8x1024xf32, #tpu.memory_space<vmem>>) dst(%dma_wait3A_842 : memref<8x1024xf32, #tpu.memory_space<hbm>>)
    %add3A_843 = arith.constant 12 : i32
    %add3A_844 = arith.addi %mul3A_2, %add3A_843 : i32
    %jit3A_845 = arith.constant 16 : i32
    %div3A_846 = arith.divsi %add3A_844, %jit3A_845 : i32
    %sign3A_847 = arith.constant 0 : i32
    %sign3A_848 = arith.cmpi sgt, %add3A_844, %sign3A_847 : i32
    %sign3A_849 = arith.extui %sign3A_848 : i1 to i32
    %sign3A_850 = arith.constant 0 : i32
    %sign3A_851 = arith.cmpi slt, %add3A_844, %sign3A_850 : i32
    %sign3A_852 = arith.extui %sign3A_851 : i1 to i32
    %sign3A_853 = arith.subi %sign3A_849, %sign3A_852 : i32
    %sign3A_854 = arith.constant 0 : i32
    %sign3A_855 = arith.cmpi sgt, %jit3A_845, %sign3A_854 : i32
    %sign3A_856 = arith.extui %sign3A_855 : i1 to i32
    %sign3A_857 = arith.constant 0 : i32
    %sign3A_858 = arith.cmpi slt, %jit3A_845, %sign3A_857 : i32
    %sign3A_859 = arith.extui %sign3A_858 : i1 to i32
    %sign3A_860 = arith.subi %sign3A_856, %sign3A_859 : i32
    %ne3A_861 = arith.cmpi ne, %sign3A_853, %sign3A_860 : i32
    %rem3A_862 = arith.remsi %add3A_844, %jit3A_845 : i32
    %ne3A_863 = arith.constant 0 : i32
    %ne3A_864 = arith.cmpi ne, %rem3A_862, %ne3A_863 : i32
    %and3A_865 = arith.andi %ne3A_861, %ne3A_864 : i1
    %sub3A_866 = arith.constant 1 : i32
    %sub3A_867 = arith.subi %div3A_846, %sub3A_866 : i32
    %select_n3A_868 = arith.select %and3A_865, %sub3A_867, %div3A_846 : i32
    %rem3A_869 = arith.constant 16 : i32
    %rem3A_870 = arith.remsi %add3A_844, %rem3A_869 : i32
    %mul3A_871 = arith.constant 8 : i32
    %mul3A_872 = arith.muli %select_n3A_868, %mul3A_871 : i32
    %mul3A_873 = arith.constant 1024 : i32
    %mul3A_874 = arith.muli %rem3A_870, %mul3A_873 : i32
    %dma_wait3A_875 = tpu.memref_slice %arg3[%mul3A_872, %mul3A_874] : memref<208x16384xf32, #tpu.memory_space<hbm>> -> memref<8x1024xf32, #tpu.memory_space<hbm>>
    %dma_wait3A_876 = tpu.memref_slice %arg3[%mul3A_872, %mul3A_874] : memref<208x16384xf32, #tpu.memory_space<hbm>> -> memref<8x1024xf32, #tpu.memory_space<hbm>>
    tpu.wait_dma2 semaphore(%arg5 : memref<!tpu.dma_semaphore, #tpu.memory_space<semaphore_mem>>) src(%arg4 : memref<8x1024xf32, #tpu.memory_space<vmem>>) dst(%dma_wait3A_876 : memref<8x1024xf32, #tpu.memory_space<hbm>>)
    return
  }
}

</mosaic_0001>

<sc_bundles>
// kernel: kernel.3.cloned.1.call-start
scs
__scs_entry_jumppad:
0x0: {  	(pc) =	sbr.rel $0x88, $3  }
0x1: {  	(tag) =	ssettag $0x0;
	lr =	simm.s32 $0x1  }
0x2: {  	[smem:$0x3FA0] =	sst lr;
	_ =	strace $0xD0000000  }
0x3: {  	_ = 	snop  }
0x4: {  	_ = 	snop  }
0x5: {  	_ = 	snop  }
0x6: {  	_ = 	snop  }
0x7: {  	_ = 	snop  }
__scs_overlays_trampoline_lowered:
0x8: {  	[smem:$0x3FAF] =	sst s0  }
0x9: {  	[smem:$0x3FB0] =	sst s1  }
0xa: {  	[smem:$0x3FB1] =	sst s2  }
0xb: {  	[smem:$0x3FB2] =	sst s3  }
0xc: {  	[smem:$0x3FB3] =	sst s4  }
0xd: {  	[smem:$0x3FB4] =	sst s5  }
0xe: {  	[smem:$0x3FB5] =	sst s6  }
0xf: {  	[smem:$0x3FB6] =	sst s7  }
0x10: {  	[smem:$0x3FB7] =	sst s8  }
0x11: {  	[smem:$0x3FB8] =	sst s9;
	s0 =	simm.s32 @!p0 $0x0  }
0x12: {  	s1 =	sld [smem:$0x3F9E];
	s0 =	simm.s32 @p0 $0x1  }
0x13: {  	[smem:$0x3FB9] =	sst s0;
	s0 =	simm.s32 @!p1 $0x0  }
0x14: {  	s2 =	sld [smem:$0x3F9D];
	s0 =	simm.s32 @p1 $0x1  }
0x15: {  	[smem:$0x3FBA] =	sst s0;
	s0 =	simm.s32 @!p2 $0x0  }
0x16: {  	s3 =	sld [smem:$0x3FDB];
	s0 =	simm.s32 @p2 $0x1  }
0x17: {  	s4 =	simm.s32 $0x1BF5;
	[smem:$0x3FBC] =	sst s0  }
0x18: {  	s0 =	sld [smem:$0x3F9F];
	_ =	swait.ge [sflag:s4], $0x0  }
0x19: {  	s7 =	sld [smem:$0x3FA0]  }
0x1a: {  	s8 =	sadd.s32 $0xFFFFE003, lr  }
0x1b: {  	s9 =	sadd.s32 $0xFFFFFEF7, lr;
	s5 =	simm.s32 $0xFFFFFFFF;
	p2 =	slt.u32 s8, $0xFFFFF086  }
0x1c: {  	p1 =	slt.u32 s9, $0xF7A;
	s5 =	simm.s32 @!p2 $0x0  }
0x1d: {  	s5 =	simm.s32 @p1 $0x1;
	p0 =	seq.s32 s7, s2  }
0x1e: {  	s7 =	smul.u32 @!p0 $0xF7A, s2;
	p2 =	seq.s32 @!p0 s5, $0x0  }
0x1f: {  	s9 =	smul.u32 $0xF7A, s1;
	s8 =	simm.s32 @!p0 $0x1BF5;
	p2 =	por !p2, p0  }
0x20: {  	[sflag:s8] =	ssyncset.s32 @!p0 $0xFFFFF086;
	s6 =	sadd.s32 @!p0 s3, s7;
	s7 =	simm.s32 @!p0 $0x108  }
0x21: {  	s3 =	sadd.s32 s3, s9;
	s6 =	sadd.s32 @!p0 $0x88, s6;
	s7 =	simm.s32 @p2 $0x1082  }
0x22: {  	[simem:s7], [sflag:s8] =	dma.local @!p0 [hbm:s6], $0xF7A  }
0x23: {  	s9 =	sor.u32 $0xD0000000, s2;
	s6 =	simm.s32 $0x108;
	_ =	swait.ge @!p0 [sflag:s8], $0x0  }
0x24: {  	s3 =	sadd.s32 $0x88, s3;
	s6 =	simm.s32 @!p1 $0x1082;
	[sflag:s4] =	ssyncset.s32 $0xFFFFF086  }
0x25: {  	[simem:s6], [sflag:s4] =	dma.local [hbm:s3], $0xF7A  }
0x26: {  	[smem:$0x3FA0] =	sst s1;
	(tag) =	ssettag s2;
	_ =	strace s9  }
0x27: {  	s1 =	sld [smem:$0x3FB0]  }
0x28: {  	s2 =	sld [smem:$0x3FB1]  }
0x29: {  	s4 =	sld [smem:$0x3FB3]  }
0x2a: {  	p0 =	seq.s32 s5, $0x0;
	s5 =	sld [smem:$0x3FB4]  }
0x2b: {  	s6 =	sld [smem:$0x3FB5]  }
0x2c: {  	s7 =	sld [smem:$0x3FB6]  }
0x2d: {  	s3 =	simm.s32 $0x108;
	s8 =	sld [smem:$0x3FB7]  }
0x2e: {  	s3 =	simm.s32 @!p0 $0x1082;
	s9 =	sld [smem:$0x3FB8]  }
0x2f: {  	lr =	sadd.s32 s0, s3;
	s0 =	sld [smem:$0x3FAF]  }
0x30: {  	s3 =	sld [smem:$0x3FB2]  }
0x31: {  	[smem:$0x3FBB] =	sst s10  }
0x32: {  	s10 =	sld [smem:$0x3FB9];
	_ =	sdelay $0x3  }
0x33: {  	p0 =	seq.s32 s10, $0x1;
	s10 =	sld [smem:$0x3FBB];
	_ =	sdelay $0x3  }
0x34: {  	[smem:$0x3FBB] =	sst s10  }
0x35: {  	s10 =	sld [smem:$0x3FBA];
	_ =	sdelay $0x3  }
0x36: {  	p1 =	seq.s32 s10, $0x1;
	s10 =	sld [smem:$0x3FBB];
	_ =	sdelay $0x3  }
0x37: {  	[smem:$0x3FBB] =	sst s10  }
0x38: {  	s10 =	sld [smem:$0x3FBC]  }
0x39: {  	_ = 	snop;
	(pc) =	sbr.ind lr, $3  }
0x3a: {  	_ = 	snop  }
0x3b: {  	_ = 	snop  }
0x3c: {  	p2 =	seq.s32 s10, $0x1;
	s10 =	sld [smem:$0x3FBB]  }
0x3d: {  	_ =	shalt  }
0x3e: {  	_ =	shalt  }
0x3f: {  	_ =	shalt  }
0x40: {  	_ =	shalt  }
0x41: {  	_ =	shalt  }
0x42: {  	_ =	shalt  }
0x43: {  	_ =	shalt  }
0x44: {  	_ =	shalt  }
0x45: {  	_ =	shalt  }
0x46: {  	_ =	shalt  }
0x47: {  	_ =	shalt  }
0x48: {  	_ =	shalt  }
0x49: {  	_ =	shalt  }
0x4a: {  	_ =	shalt  }
0x4b: {  	_ =	shalt  }
0x4c: {  	_ =	shalt  }
0x4d: {  	_ =	shalt  }
0x4e: {  	_ =	shalt  }
0x4f: {  	_ =	shalt  }
0x50: {  	_ =	shalt  }
0x51: {  	_ =	shalt  }
0x52: {  	_ =	shalt  }
0x53: {  	_ =	shalt  }
0x54: {  	_ =	shalt  }
0x55: {  	_ =	shalt  }
0x56: {  	_ =	shalt  }
0x57: {  	_ =	shalt  }
0x58: {  	_ =	shalt  }
0x59: {  	_ =	shalt  }
0x5a: {  	_ =	shalt  }
0x5b: {  	_ =	shalt  }
0x5c: {  	_ =	shalt  }
0x5d: {  	_ =	shalt  }
0x5e: {  	_ =	shalt  }
0x5f: {  	_ =	shalt  }
0x60: {  	_ =	shalt  }
0x61: {  	_ =	shalt  }
0x62: {  	_ =	shalt  }
0x63: {  	_ =	shalt  }
0x64: {  	_ =	shalt  }
0x65: {  	_ =	shalt  }
0x66: {  	_ =	shalt  }
0x67: {  	_ =	shalt  }
0x68: {  	_ =	shalt  }
0x69: {  	_ =	shalt  }
0x6a: {  	_ =	shalt  }
0x6b: {  	_ =	shalt  }
0x6c: {  	_ =	shalt  }
0x6d: {  	_ =	shalt  }
0x6e: {  	_ =	shalt  }
0x6f: {  	_ =	shalt  }
0x70: {  	_ =	shalt  }
0x71: {  	_ =	shalt  }
0x72: {  	_ =	shalt  }
0x73: {  	_ =	shalt  }
0x74: {  	_ =	shalt  }
0x75: {  	_ =	shalt  }
0x76: {  	_ =	shalt  }
0x77: {  	_ =	shalt  }
0x78: {  	_ =	shalt  }
0x79: {  	_ =	shalt  }
0x7a: {  	_ =	shalt  }
0x7b: {  	_ =	shalt  }
0x7c: {  	_ =	shalt  }
0x7d: {  	_ =	shalt  }
0x7e: {  	_ =	shalt  }
0x7f: {  	_ =	shalt  }
0x80: {  	_ =	shalt  }
0x81: {  	_ =	shalt  }
0x82: {  	_ =	shalt  }
0x83: {  	_ =	shalt  }
0x84: {  	_ =	shalt  }
0x85: {  	_ =	shalt  }
0x86: {  	_ =	shalt  }
0x87: {  	_ =	shalt  }
.Lfunc_end0:
.L_simem_size_0:
called_computation_lowered:
.L_overlay_start_0:
0x88: {  	s2 =	sld [smem:$0x3FD9]  }
0x89: {  	s3 =	sld [smem:$0x3FFE];
	_ =	sdelay $0x1  }
0x8a: {  	s1 =	srdreg.scid  }
0x8b: {  	s0 =	sand.u32 $0x1, s1  }
0x8c: {  	s17 =	sshll.u32 s0, $0xA;
	s2 =	sadd.s32 s3, s2  }
0x8d: {  	s2 =	sadd.s32 s2, s17  }
0x8e: {  	[smem:$0x3FC7] =	sst s2  }
0x8f: {  	_ = 	snop  }
0x90: {  	s2 =	sld [smem:$0x3FD0];
	(tm) =	ssettm $0x1  }
0x91: {  	s18 =	sld [smem:$0x3FFB];
	_ =	sdelay $0x3  }
0x92: {  	_ =	strace s18  }
0x93: {  	s3 =	sld [smem:$0x3FFC];
	_ =	sdelay $0x3  }
0x94: {  	_ =	strace s3  }
0x95: {  	s3 =	sld [smem:$0x3FFD];
	_ =	sdelay $0x3  }
0x96: {  	_ =	strace s3  }
0x97: {  	_ =	strace $0x8FFFFFFF  }
0x98: {  	s19 =	sld [smem:$0x3FDB];
	_ =	sdelay $0x1  }
0x99: {  	s4 =	simm.s32 $_scs_section_size  }
0x9a: {  	s5 =	simm.s32 $_size__tile_overlayer_lowered;
	s6 =	simm.s32 $_tile_overlayer_lowered  }
0x9b: {  	s22 =	simm.s32 $0x1BFF;
	s21 =	sshll.u32 s6, $0x1;
	s3 =	sadd.s32 s4, s19  }
0x9c: {  	s7 =	simm.s32 $0x0;
	s20 =	sshll.u32 s5, $0x1;
	s5 =	sadd.s32 s21, s3  }
0x9d: {  	[timem:s7], [sflag:s22] =	dma.local [hbm:s5], s20  }
0x9e: {  	_ =	swait.ge [sflag:s22], s20  }
0x9f: {  	s4 =	ssub.s32 $0x0, s20;
	[sflag:s22] =	ssyncset.done $0x0  }
0xa0: {  	[sflag:s22] =	ssyncadd.s32 s4;
	_ =	sdelay $0x1  }
0xa1: {  	s23 =	simm.s32 $0x1B8B  }
0xa2: {  	_ =	swait.ge [sflag:s23], $0x1  }
0xa3: {  	[sflag:s23] =	ssyncset.done $0x0  }
0xa4: {  	s25 =	simm.s32 $0x1B8E;
	s24 =	sld [smem:$0x3FFE];
	[sflag:s23] =	ssyncadd.s32 $0xFFFFFFFF  }
0xa5: {  	s26 =	simm.s32 $execute0_lowered;
	[smem:$0x3FD2] =	sst s25  }
0xa6: {  	s5 =	sshll.u32 s26, $0x1;
	_ =	strace $0x80000046;
	[dreg:$0x1] =	wrdreg $0xFFFFFFFF  }
0xa7: {  	s28 =	simm.s32 $_size_execute0_lowered;
	s3 =	sadd.s32 s3, s5;
	[dreg:$0x0] =	wrdreg $0x0  }
0xa8: {  	s5 =	sshll.u32 s28, $0x1;
	[dreg:$0x2] =	wrdreg s3  }
0xa9: {  	[dreg:$0x3] =	wrdreg s5  }
0xaa: {  	[dreg:$0x4] =	wrdreg $0xC0  }
0xab: {  	_ =	task [dreg:s7], $0x5FFFF  }
0xac: {  	[dreg:$0x1] =	wrdreg $0xFFFFFFFF  }
0xad: {  	[dreg:$0x0] =	wrdreg $0x60  }
0xae: {  	[dreg:$0x2] =	wrdreg s24  }
0xaf: {  	[dreg:$0x3] =	wrdreg s2  }
0xb0: {  	[dreg:$0x4] =	wrdreg $0x9  }
0xb1: {  	_ =	task.clear_ibuf [dreg:s7], $0x5FFFF;
	_ =	strace $0x90000046  }
0xb2: {  	s29 =	simm.s32 $0x9;
	_ =	strace $0x80000048  }
0xb3: {  	_ =	swait.ge [sflag:s29], $0x1  }
0xb4: {  	[sflag:s29] =	ssyncadd.s32 $0xFFFFFFFF  }
0xb5: {  	_ =	strace $0x90000048  }
0xb6: {  	_ =	sfence  }
0xb7: {  	s30 =	sld [smem:$0x0];
	_ =	sdelay $0x2  }
0xb8: {  	s31 =	sshll.u32 s1, $0xD;
	s1 =	sshrl.u32 s1, $0x2  }
0xb9: {  	s3 =	sand.u32 $0x4000, s31;
	s1 =	sadd.s32 s1, s30  }
0xba: {  	s0 =	sor.u32 s3, s0;
	s1 =	sshll.u32 s1, $0x11  }
0xbb: {  	s0 =	sor.u32 s1, s0  }
0xbc: {  	s0 =	sadd.s32 $0x8F2B, s0  }
0xbd: {  	[sflag:s0] =	ssyncadd.remote.s32 $0x1  }
0xbe: {  	_ =	sfence.sel $0xFFFF  }
0xbf: {  	[dreg:$0x0] =	wrdreg $0xFFFFFFFF;
	(pc) =	sbr.abs _section_cstart, $3  }
0xc0: {  	[dreg:$0x1] =	wrdreg $0xFFFFFFFF  }
0xc1: {  	_ =	task.clear_ibuf [dreg:s7], $0x2FFFF;
	_ =	strace $0x9FFFFFFF  }
0xc2: {  	(tm) =	ssettm $0x7FFFFFFF  }
0xc3: {  	_ =	shalt  }
tec
execute0_lowered:
.L_overlay_start_1:
0x0: {  	(tag) =	ssettag $0x1  }
0x1: {  	s3 =	rddreg [dreg:$0x0]  }
0x2: {  	s6 =	rddreg [dreg:$0x1]  }
0x3: {  	s0 =	rddreg [dreg:$0x2]  }
0x4: {  	s4 =	srdreg.scid;
	s1 =	stileid.u32  }
0x5: {  	s2 =	simm.s32 $0x0;
	s19 =	sand.u32 $0x1, s4;
	s31 =	sshll.u32 s1, $0x1  }
0x6: {  	[smem:$0x7FF] =	sst s2;
	s3 =	sadd.s32 $0x400, s3;
	s5 =	sor.u32 s19, s31  }
0x7: {  	s4 =	simm.s32 $0x2;
	_ =	strace $0x80000047;
	s7 =	smul.u32 $0x1A000, s5  }
0x8: {  	[tilespmem:s2], [sflag:$0x2] =	stream.linear.gather [hbm4b:s3+s2], $0x2000, $0x38;
	[tilespmem:$0x2000] =	vst v63  }
0x9: {  	s5 =	smul.u32 $0x3400, s5;
	_ =	swait.ge [sflag:s4], $0x2000  }
0xa: {  	s7 =	sshrl.u32 s7, $0x3;
	[sflag:s4] =	ssyncset.done $0x0  }
0xb: {  	s5 =	sadd.s32 s6, s5;
	s17 =	sadd.s32 s6, s7;
	[sflag:s4] =	ssyncadd.s32 $0xFFFFE000  }
0xc: {  	[hbm4b:s5+s2] =	stream.linear.scatter [tilespmem:s2], [sflag:$0x1], $0x2000, $0x38;
	[tilespmem:$0x2000] =	vst v63  }
0xd: {  	s6 =	sadd.s32 $0x400, s17  }
0xe: {  	[hbm4b:s6+s2] =	stream.linear.scatter [tilespmem:s2], [sflag:$0x1], $0x2000, $0x38;
	[tilespmem:$0x2000] =	vst v63  }
0xf: {  	s7 =	sadd.s32 $0x800, s17  }
0x10: {  	[hbm4b:s7+s2] =	stream.linear.scatter [tilespmem:s2], [sflag:$0x1], $0x2000, $0x38;
	[tilespmem:$0x2000] =	vst v63  }
0x11: {  	s8 =	sadd.s32 $0xC00, s17  }
0x12: {  	[hbm4b:s8+s2] =	stream.linear.scatter [tilespmem:s2], [sflag:$0x1], $0x2000, $0x38;
	[tilespmem:$0x2000] =	vst v63  }
0x13: {  	s9 =	sadd.s32 $0x1000, s17  }
0x14: {  	[hbm4b:s9+s2] =	stream.linear.scatter [tilespmem:s2], [sflag:$0x1], $0x2000, $0x38;
	[tilespmem:$0x2000] =	vst v63  }
0x15: {  	s10 =	sadd.s32 $0x1400, s17  }
0x16: {  	[hbm4b:s10+s2] =	stream.linear.scatter [tilespmem:s2], [sflag:$0x1], $0x2000, $0x38;
	[tilespmem:$0x2000] =	vst v63  }
0x17: {  	s11 =	sadd.s32 $0x1800, s17  }
0x18: {  	[hbm4b:s11+s2] =	stream.linear.scatter [tilespmem:s2], [sflag:$0x1], $0x2000, $0x38;
	[tilespmem:$0x2000] =	vst v63  }
0x19: {  	s12 =	sadd.s32 $0x1C00, s17  }
0x1a: {  	[hbm4b:s12+s2] =	stream.linear.scatter [tilespmem:s2], [sflag:$0x1], $0x2000, $0x38;
	[tilespmem:$0x2000] =	vst v63  }
0x1b: {  	s13 =	sadd.s32 $0x2000, s17  }
0x1c: {  	[hbm4b:s13+s2] =	stream.linear.scatter [tilespmem:s2], [sflag:$0x1], $0x2000, $0x38;
	[tilespmem:$0x2000] =	vst v63  }
0x1d: {  	s14 =	sadd.s32 $0x2400, s17  }
0x1e: {  	[hbm4b:s14+s2] =	stream.linear.scatter [tilespmem:s2], [sflag:$0x1], $0x2000, $0x38;
	[tilespmem:$0x2000] =	vst v63  }
0x1f: {  	s15 =	sadd.s32 $0x2800, s17  }
0x20: {  	[hbm4b:s15+s2] =	stream.linear.scatter [tilespmem:s2], [sflag:$0x1], $0x2000, $0x38;
	[tilespmem:$0x2000] =	vst v63  }
0x21: {  	s16 =	sadd.s32 $0x2C00, s17  }
0x22: {  	[hbm4b:s16+s2] =	stream.linear.scatter [tilespmem:s2], [sflag:$0x1], $0x2000, $0x38;
	[tilespmem:$0x2000] =	vst v63  }
0x23: {  	s18 =	sadd.s32 $0x3000, s17;
	s17 =	simm.s32 $0x1  }
0x24: {  	[hbm4b:s18+s2] =	stream.linear.scatter [tilespmem:s2], [sflag:$0x1], $0x2000, $0x38;
	[tilespmem:$0x2000] =	vst v63  }
0x25: {  	_ =	swait.ge [sflag:s17], $0x2000  }
0x26: {  	[sflag:s17] =	ssyncset.done $0x0  }
0x27: {  	[sflag:s17] =	ssyncadd.s32 $0xFFFFE000  }
0x28: {  	_ =	swait.ge [sflag:s17], $0x2000  }
0x29: {  	[sflag:s17] =	ssyncset.done $0x0  }
0x2a: {  	[sflag:s17] =	ssyncadd.s32 $0xFFFFE000  }
0x2b: {  	_ =	swait.ge [sflag:s17], $0x2000  }
0x2c: {  	[sflag:s17] =	ssyncset.done $0x0  }
0x2d: {  	[sflag:s17] =	ssyncadd.s32 $0xFFFFE000  }
0x2e: {  	_ =	swait.ge [sflag:s17], $0x2000  }
0x2f: {  	[sflag:s17] =	ssyncset.done $0x0  }
0x30: {  	[sflag:s17] =	ssyncadd.s32 $0xFFFFE000  }
0x31: {  	_ =	swait.ge [sflag:s17], $0x2000  }
0x32: {  	[sflag:s17] =	ssyncset.done $0x0  }
0x33: {  	[sflag:s17] =	ssyncadd.s32 $0xFFFFE000  }
0x34: {  	_ =	swait.ge [sflag:s17], $0x2000  }
0x35: {  	[sflag:s17] =	ssyncset.done $0x0  }
0x36: {  	[sflag:s17] =	ssyncadd.s32 $0xFFFFE000  }
0x37: {  	_ =	swait.ge [sflag:s17], $0x2000  }
0x38: {  	[sflag:s17] =	ssyncset.done $0x0  }
0x39: {  	[sflag:s17] =	ssyncadd.s32 $0xFFFFE000  }
0x3a: {  	_ =	swait.ge [sflag:s17], $0x2000  }
0x3b: {  	[sflag:s17] =	ssyncset.done $0x0  }
0x3c: {  	[sflag:s17] =	ssyncadd.s32 $0xFFFFE000  }
0x3d: {  	_ =	swait.ge [sflag:s17], $0x2000  }
0x3e: {  	[sflag:s17] =	ssyncset.done $0x0  }
0x3f: {  	[sflag:s17] =	ssyncadd.s32 $0xFFFFE000  }
0x40: {  	_ =	swait.ge [sflag:s17], $0x2000  }
0x41: {  	s19 =	ssub.s32 $0x2, s19;
	[sflag:s17] =	ssyncset.done $0x0  }
0x42: {  	s20 =	sshrl.u32 s19, $0x1;
	[sflag:s17] =	ssyncadd.s32 $0xFFFFE000  }
0x43: {  	s19 =	ssub.s32 s19, s20;
	_ =	swait.ge [sflag:s17], $0x2000  }
0x44: {  	s19 =	smax.u32 s19, $0x1;
	[sflag:s17] =	ssyncset.done $0x0  }
0x45: {  	p0 =	sne.s32 s19, $0x1;
	[sflag:s17] =	ssyncadd.s32 $0xFFFFE000  }
.Ltmp0:
0x46: {  	_ =	swait.ge [sflag:s17], $0x2000;
	(pc) =	sbr.rel @!p0 .LBB2_2-.Ltmp0, $4  }
0x47: {  	[sflag:s17] =	ssyncset.done $0x0  }
0x48: {  	[sflag:s17] =	ssyncadd.s32 $0xFFFFE000  }
0x49: {  	_ =	swait.ge [sflag:s17], $0x2000  }
0x4a: {  	s19 =	sadd.s32 $0xFFFFFFFF, s19;
	[sflag:s17] =	ssyncset.done $0x0  }
.LBB2_1:
0x4b: {  	p0 =	sne.s32 s19, $0x1;
	s19 =	sadd.s32 $0xFFFFFFFF, s19;
	[sflag:s17] =	ssyncadd.s32 $0xFFFFE000  }
0x4c: {  	[tilespmem:s2], [sflag:$0x2] =	stream.linear.gather [hbm4b:s3+s2], $0x2000, $0x38;
	[tilespmem:$0x2000] =	vst v63  }
0x4d: {  	_ =	swait.ge [sflag:s4], $0x2000  }
0x4e: {  	[sflag:s4] =	ssyncset.done $0x0  }
0x4f: {  	[sflag:s4] =	ssyncadd.s32 $0xFFFFE000  }
0x50: {  	[hbm4b:s5+s2] =	stream.linear.scatter [tilespmem:s2], [sflag:$0x1], $0x2000, $0x38;
	[tilespmem:$0x2000] =	vst v63  }
0x51: {  	_ = 	snop  }
0x52: {  	[hbm4b:s6+s2] =	stream.linear.scatter [tilespmem:s2], [sflag:$0x1], $0x2000, $0x38;
	[tilespmem:$0x2000] =	vst v63  }
0x53: {  	_ = 	snop  }
0x54: {  	[hbm4b:s7+s2] =	stream.linear.scatter [tilespmem:s2], [sflag:$0x1], $0x2000, $0x38;
	[tilespmem:$0x2000] =	vst v63  }
0x55: {  	_ = 	snop  }
0x56: {  	[hbm4b:s8+s2] =	stream.linear.scatter [tilespmem:s2], [sflag:$0x1], $0x2000, $0x38;
	[tilespmem:$0x2000] =	vst v63  }
0x57: {  	_ = 	snop  }
0x58: {  	[hbm4b:s9+s2] =	stream.linear.scatter [tilespmem:s2], [sflag:$0x1], $0x2000, $0x38;
	[tilespmem:$0x2000] =	vst v63  }
0x59: {  	_ = 	snop  }
0x5a: {  	[hbm4b:s10+s2] =	stream.linear.scatter [tilespmem:s2], [sflag:$0x1], $0x2000, $0x38;
	[tilespmem:$0x2000] =	vst v63  }
0x5b: {  	_ = 	snop  }
0x5c: {  	[hbm4b:s11+s2] =	stream.linear.scatter [tilespmem:s2], [sflag:$0x1], $0x2000, $0x38;
	[tilespmem:$0x2000] =	vst v63  }
0x5d: {  	_ = 	snop  }
0x5e: {  	[hbm4b:s12+s2] =	stream.linear.scatter [tilespmem:s2], [sflag:$0x1], $0x2000, $0x38;
	[tilespmem:$0x2000] =	vst v63  }
0x5f: {  	_ = 	snop  }
0x60: {  	[hbm4b:s13+s2] =	stream.linear.scatter [tilespmem:s2], [sflag:$0x1], $0x2000, $0x38;
	[tilespmem:$0x2000] =	vst v63  }
0x61: {  	_ = 	snop  }
0x62: {  	[hbm4b:s14+s2] =	stream.linear.scatter [tilespmem:s2], [sflag:$0x1], $0x2000, $0x38;
	[tilespmem:$0x2000] =	vst v63  }
0x63: {  	_ = 	snop  }
0x64: {  	[hbm4b:s15+s2] =	stream.linear.scatter [tilespmem:s2], [sflag:$0x1], $0x2000, $0x38;
	[tilespmem:$0x2000] =	vst v63  }
0x65: {  	_ = 	snop  }
0x66: {  	[hbm4b:s16+s2] =	stream.linear.scatter [tilespmem:s2], [sflag:$0x1], $0x2000, $0x38;
	[tilespmem:$0x2000] =	vst v63  }
0x67: {  	_ = 	snop  }
0x68: {  	[hbm4b:s18+s2] =	stream.linear.scatter [tilespmem:s2], [sflag:$0x1], $0x2000, $0x38;
	[tilespmem:$0x2000] =	vst v63  }
0x69: {  	_ =	swait.ge [sflag:s17], $0x2000  }
0x6a: {  	[sflag:s17] =	ssyncset.done $0x0  }
0x6b: {  	[sflag:s17] =	ssyncadd.s32 $0xFFFFE000  }
0x6c: {  	_ =	swait.ge [sflag:s17], $0x2000  }
0x6d: {  	[sflag:s17] =	ssyncset.done $0x0  }
0x6e: {  	[sflag:s17] =	ssyncadd.s32 $0xFFFFE000  }
0x6f: {  	_ =	swait.ge [sflag:s17], $0x2000  }
0x70: {  	[sflag:s17] =	ssyncset.done $0x0  }
0x71: {  	[sflag:s17] =	ssyncadd.s32 $0xFFFFE000  }
0x72: {  	_ =	swait.ge [sflag:s17], $0x2000  }
0x73: {  	[sflag:s17] =	ssyncset.done $0x0  }
0x74: {  	[sflag:s17] =	ssyncadd.s32 $0xFFFFE000  }
0x75: {  	_ =	swait.ge [sflag:s17], $0x2000  }
0x76: {  	[sflag:s17] =	ssyncset.done $0x0  }
0x77: {  	[sflag:s17] =	ssyncadd.s32 $0xFFFFE000  }
0x78: {  	_ =	swait.ge [sflag:s17], $0x2000  }
0x79: {  	[sflag:s17] =	ssyncset.done $0x0  }
0x7a: {  	[sflag:s17] =	ssyncadd.s32 $0xFFFFE000  }
0x7b: {  	_ =	swait.ge [sflag:s17], $0x2000  }
0x7c: {  	[sflag:s17] =	ssyncset.done $0x0  }
0x7d: {  	[sflag:s17] =	ssyncadd.s32 $0xFFFFE000  }
0x7e: {  	_ =	swait.ge [sflag:s17], $0x2000  }
0x7f: {  	[sflag:s17] =	ssyncset.done $0x0  }
0x80: {  	[sflag:s17] =	ssyncadd.s32 $0xFFFFE000  }
0x81: {  	_ =	swait.ge [sflag:s17], $0x2000  }
0x82: {  	[sflag:s17] =	ssyncset.done $0x0  }
0x83: {  	[sflag:s17] =	ssyncadd.s32 $0xFFFFE000  }
0x84: {  	_ =	swait.ge [sflag:s17], $0x2000  }
0x85: {  	[sflag:s17] =	ssyncset.done $0x0  }
0x86: {  	[sflag:s17] =	ssyncadd.s32 $0xFFFFE000  }
0x87: {  	_ =	swait.ge [sflag:s17], $0x2000  }
0x88: {  	[sflag:s17] =	ssyncset.done $0x0  }
0x89: {  	[sflag:s17] =	ssyncadd.s32 $0xFFFFE000  }
.Ltmp1:
0x8a: {  	_ =	swait.ge [sflag:s17], $0x2000;
	(pc) =	sbr.rel @p0 .LBB2_1-.Ltmp1, $4  }
0x8b: {  	[sflag:s17] =	ssyncset.done $0x0  }
0x8c: {  	[sflag:s17] =	ssyncadd.s32 $0xFFFFE000  }
0x8d: {  	_ =	swait.ge [sflag:s17], $0x2000  }
0x8e: {  	[sflag:s17] =	ssyncset.done $0x0  }
.LBB2_2:
0x8f: {  	[sflag:s17] =	ssyncadd.s32 $0xFFFFE000  }
0x90: {  	_ =	sfence.sel $0x180000  }
0x91: {  	[bflag:$0x0] =	sbarrier.arrive $0xFFFF  }
0x92: {  	p0 =	sne.s32 s1, $0x0;
	_ =	strace $0x90000047  }
0x93: {  	s0 =	sadd.s32 @!p0 $0x100000, s0;
	[bflag:$0x2] =	sbarrier.arrive $0xFFFF  }
0x94: {  	[sflag:s0] =	ssyncadd.tile.s32 @!p0 $0x1;
	_ =	shalt  }
.Lfunc_end2:
_tile_overlayer_lowered:
.L_overlay_start_2:
0x95: {  	(tag) =	ssettag $0x2  }
0x96: {  	s0 =	rddreg [dreg:$0x0];
	s2 =	stileid.u32  }
0x97: {  	s1 =	rddreg [dreg:$0x1];
	p0 =	sne.s32 s2, $0x0  }
0x98: {  	s3 =	rddreg [dreg:$0x2];
	[bflag:$0x3] =	sbarrier.arrive $0xFFFF;
	s2 =	simm.s32 @!p0 $0x1C02  }
0x99: {  	[timem:s3], [sflag:s2] =	dma.local @!p0 [hbm:s0], s1  }
0x9a: {  	s0 =	simm.s32 @!p0 $0x2  }
0x9b: {  	_ =	swait.ge @!p0 [sflag:s0], s1  }
0x9c: {  	s1 =	ssub.s32 @!p0 $0x0, s1;
	[sflag:s0] =	ssyncset.done @!p0 $0x0  }
0x9d: {  	[sflag:s0] =	ssyncadd.s32 @!p0 s1  }
0x9e: {  	[bflag:$0x3] =	sbarrier.arrive $0xFFFF  }
0x9f: {  	_ =	shalt  }

</sc_bundles>
